<compile_context>
chip_gen: v7x
topology: tpu7x:2x2x1
jax: 0.10.2.dev20260603
libtpu: 0.0.44.dev20260713+nightly
codegen_flags: <defaults>
</compile_context>

<pallas_src>
import functools

import jax
import jax.numpy as jnp
from jax import lax
from jax.experimental import pallas as pl
from jax.experimental.pallas import tpu as pltpu
from jax.experimental.pallas import tpu_sc as plsc

H = 128
CHUNK = 128


def _sc_mesh():
    return plsc.VectorSubcoreMesh(
        core_axis_name="c", subcore_axis_name="s", num_cores=2, num_subcores=16
    )



def _make_gather(N, E):
    rows = E // CHUNK
    nworker = 32
    base = rows // nworker
    extra = rows % nworker

    mesh = _sc_mesh()

    @functools.partial(
        pl.kernel,
        out_type=(
            jax.ShapeDtypeStruct((E, H), jnp.float32),
            jax.ShapeDtypeStruct((E, H), jnp.float32),
        ),
        mesh=mesh,
        scratch_types=[
            pltpu.VMEM((base + 1, 1, CHUNK), jnp.int32),
            pltpu.VMEM((base + 1, 1, CHUNK), jnp.int32),
            pltpu.VMEM((CHUNK, H), jnp.float32),
            pltpu.VMEM((CHUNK, H), jnp.float32),
            pltpu.SemaphoreType.DMA,
            pltpu.SemaphoreType.DMA,
        ],
    )
    def gather_k(node_hbm, sidx_hbm, ridx_hbm, sa_hbm, ra_hbm,
                 sidx_v, ridx_v, bufs, bufr, sems, semr):
        cid = lax.axis_index("c")
        sid = lax.axis_index("s")
        wid = sid * 2 + cid
        start = wid * base + jnp.minimum(wid, extra)
        has_extra = wid < extra

        pltpu.sync_copy(sidx_hbm.at[pl.ds(start, base)], sidx_v.at[pl.ds(0, base)])
        pltpu.sync_copy(ridx_hbm.at[pl.ds(start, base)], ridx_v.at[pl.ds(0, base)])

        @pl.when(has_extra)
        def _():
            pltpu.sync_copy(sidx_hbm.at[pl.ds(start + base, 1)],
                            sidx_v.at[pl.ds(base, 1)])
            pltpu.sync_copy(ridx_hbm.at[pl.ds(start + base, 1)],
                            ridx_v.at[pl.ds(base, 1)])

        def process(j):
            ebase = (start + j) * CHUNK
            d1 = pltpu.async_copy(node_hbm.at[sidx_v.at[j, 0]], bufs, sems)
            d2 = pltpu.async_copy(node_hbm.at[ridx_v.at[j, 0]], bufr, semr)
            d1.wait()
            pltpu.sync_copy(bufs, sa_hbm.at[pl.ds(ebase, CHUNK)])
            d2.wait()
            pltpu.sync_copy(bufr, ra_hbm.at[pl.ds(ebase, CHUNK)])

        def body(j, _):
            process(j)
            return _

        lax.fori_loop(0, base, body, None)

        @pl.when(has_extra)
        def _():
            process(base)

    return gather_k



def _make_scatter(N, E):
    rows = E // CHUNK
    rows_core = rows // 2
    base = rows_core // 16
    extra = rows_core % 16
    npart = (N // 16) // 8 * 8
    ntail = N - 16 * npart

    mesh = _sc_mesh()

    @functools.partial(
        pl.kernel,
        out_type=jax.ShapeDtypeStruct((2, N, H), jnp.float32),
        mesh=mesh,
        scratch_types=[
            pltpu.VMEM((base + 1, 1, CHUNK), jnp.int32),
            pltpu.VMEM((CHUNK, H), jnp.float32),
            pltpu.VMEM_SHARED((N, H), jnp.float32),
        ],
    )
    def scatter_k(y_hbm, ridx_hbm, zeros_hbm, agg_hbm, ridx_v, ybuf, acc_sh):
        cid = lax.axis_index("c")
        sid = lax.axis_index("s")

        pltpu.sync_copy(zeros_hbm.at[pl.ds(sid * npart, npart)],
                        acc_sh.at[pl.ds(sid * npart, npart)])
        if ntail:
            @pl.when(sid == 15)
            def _():
                pltpu.sync_copy(zeros_hbm.at[pl.ds(16 * npart, ntail)],
                                acc_sh.at[pl.ds(16 * npart, ntail)])
        plsc.subcore_barrier()

        lstart = sid * base + jnp.minimum(sid, extra)
        grow = cid * rows_core + lstart
        has_extra = sid < extra

        pltpu.sync_copy(ridx_hbm.at[pl.ds(grow, base)], ridx_v.at[pl.ds(0, base)])

        @pl.when(has_extra)
        def _():
            pltpu.sync_copy(ridx_hbm.at[pl.ds(grow + base, 1)],
                            ridx_v.at[pl.ds(base, 1)])

        def process(j):
            ebase = (grow + j) * CHUNK
            pltpu.sync_copy(y_hbm.at[pl.ds(ebase, CHUNK)], ybuf)
            pltpu.sync_copy(ybuf, acc_sh.at[ridx_v.at[j, 0]], add=True)

        def body(j, _):
            process(j)
            return _

        lax.fori_loop(0, base, body, None)

        @pl.when(has_extra)
        def _():
            process(base)

        plsc.subcore_barrier()
        pltpu.sync_copy(acc_sh.at[pl.ds(sid * npart, npart)],
                        agg_hbm.at[cid, pl.ds(sid * npart, npart)])
        if ntail:
            @pl.when(sid == 15)
            def _():
                pltpu.sync_copy(acc_sh.at[pl.ds(16 * npart, ntail)],
                                agg_hbm.at[cid, pl.ds(16 * npart, ntail)])

    return scatter_k



def _ln(h, g, beta):
    mu = jnp.mean(h, axis=-1, keepdims=True)
    d = h - mu
    var = jnp.mean(d * d, axis=-1, keepdims=True)
    return d / jnp.sqrt(var + 1e-5) * g + beta


def _edge_body(sa_ref, ra_ref, ea_ref, w1a, w1b, w1c, b1, w2, b2, w3, b3,
               w4, b4, g, beta, y_ref, ye_ref):
    s = sa_ref[...]
    r = ra_ref[...]
    e = ea_ref[...]
    f32 = jnp.float32
    h = jnp.dot(s, w1a[...], preferred_element_type=f32)
    h = h + jnp.dot(r, w1b[...], preferred_element_type=f32)
    h = h + jnp.dot(e, w1c[...], preferred_element_type=f32)
    h = jax.nn.relu(h + b1[...])
    h = jax.nn.relu(jnp.dot(h, w2[...], preferred_element_type=f32) + b2[...])
    h = jax.nn.relu(jnp.dot(h, w3[...], preferred_element_type=f32) + b3[...])
    h = jnp.dot(h, w4[...], preferred_element_type=f32) + b4[...]
    y = _ln(h, g[...], beta[...])
    y_ref[...] = y
    ye_ref[...] = y + e


def _node_body(na_ref, agg_ref, w1a, w1b, b1, w2, b2, w3, b3, w4, b4, g, beta,
               out_ref):
    n = na_ref[...]
    a = agg_ref[0] + agg_ref[1]
    f32 = jnp.float32
    h = jnp.dot(n, w1a[...], preferred_element_type=f32)
    h = h + jnp.dot(a, w1b[...], preferred_element_type=f32)
    h = jax.nn.relu(h + b1[...])
    h = jax.nn.relu(jnp.dot(h, w2[...], preferred_element_type=f32) + b2[...])
    h = jax.nn.relu(jnp.dot(h, w3[...], preferred_element_type=f32) + b3[...])
    h = jnp.dot(h, w4[...], preferred_element_type=f32) + b4[...]
    out_ref[...] = _ln(h, g[...], beta[...]) + n


def _full(shape):
    nd = len(shape)
    return pl.BlockSpec(shape, lambda i: (0,) * nd)


def _edge_mlp(sa, ra, ea, w1a, w1b, w1c, b1, w2, b2, w3, b3, w4, b4, g, beta,
              block):
    E = sa.shape[0]
    grid = E // block
    row = pl.BlockSpec((block, H), lambda i: (i, 0))
    wspec = _full((H, H))
    vspec = _full((1, H))
    return pl.pallas_call(
        _edge_body,
        grid=(grid,),
        in_specs=[row, row, row, wspec, wspec, wspec, vspec, wspec, vspec,
                  wspec, vspec, wspec, vspec, vspec, vspec],
        out_specs=[row, row],
        out_shape=(
            jax.ShapeDtypeStruct((E, H), jnp.float32),
            jax.ShapeDtypeStruct((E, H), jnp.float32),
        ),
    )(sa, ra, ea, w1a, w1b, w1c, b1, w2, b2, w3, b3, w4, b4, g, beta)


def _node_mlp(na, agg, w1a, w1b, b1, w2, b2, w3, b3, w4, b4, g, beta, block):
    N = na.shape[0]
    grid = N // block
    row = pl.BlockSpec((block, H), lambda i: (i, 0))
    arow = pl.BlockSpec((2, block, H), lambda i: (0, i, 0))
    wspec = _full((H, H))
    vspec = _full((1, H))
    return pl.pallas_call(
        _node_body,
        grid=(grid,),
        in_specs=[row, arow, wspec, wspec, vspec, wspec, vspec, wspec, vspec,
                  wspec, vspec, vspec, vspec],
        out_specs=row,
        out_shape=jax.ShapeDtypeStruct((N, H), jnp.float32),
    )(na, agg, w1a, w1b, b1, w2, b2, w3, b3, w4, b4, g, beta)


def kernel(node_attr, edge_attr, edge_index, num_nodes,
           eb_W1, eb_b1, eb_W2, eb_b2, eb_W3, eb_b3, eb_W4, eb_b4, eb_g, eb_beta,
           nb_W1, nb_b1, nb_W2, nb_b2, nb_W3, nb_b3, nb_W4, nb_b4, nb_g, nb_beta):
    N = node_attr.shape[0]
    E = edge_attr.shape[0]

    s2d = edge_index[0].reshape(E // CHUNK, 1, CHUNK)
    r2d = edge_index[1].reshape(E // CHUNK, 1, CHUNK)

    sa, ra = _make_gather(N, E)(node_attr, s2d, r2d)

    row = lambda v: v.reshape(1, H)
    y, ye = _edge_mlp(
        sa, ra, edge_attr,
        eb_W1[:H], eb_W1[H:2 * H], eb_W1[2 * H:], row(eb_b1),
        eb_W2, row(eb_b2), eb_W3, row(eb_b3), eb_W4, row(eb_b4),
        row(eb_g), row(eb_beta), block=1000,
    )

    zeros = jnp.zeros((N, H), jnp.float32)
    agg = _make_scatter(N, E)(y, r2d, zeros)

    un = _node_mlp(
        node_attr, agg,
        nb_W1[:H], nb_W1[H:], row(nb_b1),
        nb_W2, row(nb_b2), nb_W3, row(nb_b3), nb_W4, row(nb_b4),
        row(nb_g), row(nb_beta), block=1000,
    )
    return un, ye

# --- scband reference (transcript-rebuilt; emitter-appended) ---
"""Pipeline reference for scband-gn-block-onnx-53206054863198 (READ-ONLY COPY).

The authoritative reference and input builder live on the scoring server;
editing this copy changes nothing except your own understanding.
"""

import jax, jax.numpy as jnp
import numpy as np

H = 128

def _mk_lin(k, fi, fo):
    kw, kb = jax.random.split(k)
    lim = 1.0 / np.sqrt(fi)
    W = jax.random.uniform(kw, (fi, fo), minval=-lim, maxval=lim, dtype=jnp.float32)
    b = jax.random.uniform(kb, (fo,), minval=-lim, maxval=lim, dtype=jnp.float32)
    return W, b

def _mlp_ln(x, W1, b1, W2, b2, W3, b3, W4, b4, g, beta):
    h = jax.nn.relu(x @ W1 + b1)
    h = jax.nn.relu(h @ W2 + b2)
    h = jax.nn.relu(h @ W3 + b3)
    h = h @ W4 + b4
    mu = jnp.mean(h, axis=-1, keepdims=True)
    var = jnp.var(h, axis=-1, keepdims=True)
    h = (h - mu) / jnp.sqrt(var + 1e-5)
    return h * g + beta

def setup_inputs(seed: int = 0):
    key = jax.random.key(seed)
    ks = jax.random.split(key, 24)
    N, E = 10000, 320000
    inp = {}
    inp['node_attr'] = jax.random.normal(ks[0], (N, H), dtype=jnp.float32)
    inp['edge_attr'] = jax.random.normal(ks[1], (E, H), dtype=jnp.float32)
    inp['edge_index'] = jax.random.randint(ks[2], (2, E), 0, N, dtype=jnp.int32)
    inp['num_nodes'] = N
    # EdgeBlock MLP: in=3H
    inp['eb_W1'], inp['eb_b1'] = _mk_lin(ks[3], 3 * H, H)
    inp['eb_W2'], inp['eb_b2'] = _mk_lin(ks[4], H, H)
    inp['eb_W3'], inp['eb_b3'] = _mk_lin(ks[5], H, H)
    inp['eb_W4'], inp['eb_b4'] = _mk_lin(ks[6], H, H)
    inp['eb_g'] = jnp.ones((H,), dtype=jnp.float32)
    inp['eb_beta'] = jnp.zeros((H,), dtype=jnp.float32)
    # NodeBlock MLP: in=2H
    inp['nb_W1'], inp['nb_b1'] = _mk_lin(ks[7], 2 * H, H)
    inp['nb_W2'], inp['nb_b2'] = _mk_lin(ks[8], H, H)
    inp['nb_W3'], inp['nb_b3'] = _mk_lin(ks[9], H, H)
    inp['nb_W4'], inp['nb_b4'] = _mk_lin(ks[10], H, H)
    inp['nb_g'] = jnp.ones((H,), dtype=jnp.float32)
    inp['nb_beta'] = jnp.zeros((H,), dtype=jnp.float32)
    return inp

def reference(node_attr, edge_attr, edge_index, num_nodes,
              eb_W1, eb_b1, eb_W2, eb_b2, eb_W3, eb_b3, eb_W4, eb_b4, eb_g, eb_beta,
              nb_W1, nb_b1, nb_W2, nb_b2, nb_W3, nb_b3, nb_W4, nb_b4, nb_g, nb_beta):
    senders = edge_index[0]
    receivers = edge_index[1]
    senders_attr = jnp.take(node_attr, senders, axis=0)
    receivers_attr = jnp.take(node_attr, receivers, axis=0)
    collected_edges = jnp.concatenate([senders_attr, receivers_attr, edge_attr], axis=1)
    updated_edge = _mlp_ln(collected_edges, eb_W1, eb_b1, eb_W2, eb_b2, eb_W3, eb_b3, eb_W4, eb_b4, eb_g, eb_beta)
    n_static = node_attr.shape[0]
    zero_from_num_nodes = jnp.asarray(num_nodes - n_static, dtype=updated_edge.dtype) * 0
    base = jnp.zeros((n_static, updated_edge.shape[1]), dtype=updated_edge.dtype) + zero_from_num_nodes
    agg_edges = base.at[receivers].add(updated_edge)
    collected_nodes = jnp.concatenate([node_attr, agg_edges], axis=-1)
    updated_node = _mlp_ln(collected_nodes, nb_W1, nb_b1, nb_W2, nb_b2, nb_W3, nb_b3, nb_W4, nb_b4, nb_g, nb_beta)
    updated_node = updated_node + node_attr
    updated_edge = updated_edge + edge_attr
    return (updated_node, updated_edge)

if __name__ == "__main__":
    import jax
    _d = setup_inputs()
    print(jax.jit(kernel)(*tuple(_d.values())))

</pallas_src>

<mosaic_0001>
#map = affine_map<(d0, d1) -> (0, 0)>
#map1 = affine_map<(d0, d1) -> (0, 0, 0)>
module attributes {stable_mosaic.version = 14 : i64} {
  func.func @scatter_k(%arg0: i32, %arg1: i32, %arg2: memref<320000x128xf32, #tpu.memory_space<hbm>>, %arg3: memref<2500x1x128xi32, #tpu.memory_space<hbm>>, %arg4: memref<10000x128xf32, #tpu.memory_space<hbm>>, %arg5: memref<2x10000x128xf32, #tpu.memory_space<hbm>>, %arg6: memref<79x1x128xi32, #tpu.memory_space<vmem>>, %arg7: memref<128x128xf32, #tpu.memory_space<vmem>>, %arg8: memref<10000x128xf32, #tpu.memory_space<vmem_shared>>) attributes {dimension_semantics = [#tpu.dimension_semantics<core_parallel>, #tpu.dimension_semantics<subcore_parallel>], iteration_bounds = array<i64: 2, 16>, scalar_prefetch = 0 : i64, scratch_operands = 3 : i64, tpu.core_type = #tpu.core_type<sc_vector_subcore>, window_params = [{transform_indices = #map}, {transform_indices = #map1}, {transform_indices = #map}, {transform_indices = #map1}]} {
    %mul3A = arith.constant 624 : i32
    %mul3A_0 = arith.muli %arg1, %mul3A : i32
    %mul3A_1 = arith.constant 624 : i32
    %mul3A_2 = arith.muli %arg1, %mul3A_1 : i32
    "tpu.region"() ({
      %run_scoped3A = tpu.sem_alloc : memref<!tpu.dma_semaphore, #tpu.memory_space<semaphore_mem>>
      %dma_start3A = arith.constant 0 : i32
      %dma_start3A_32 = tpu.memref_slice %arg8[%mul3A_2, %dma_start3A] : memref<10000x128xf32, #tpu.memory_space<vmem_shared>> -> memref<624x128xf32, #tpu.memory_space<vmem_shared>>
      %dma_start3A_33 = arith.constant 0 : i32
      %dma_start3A_34 = tpu.memref_slice %arg4[%mul3A_0, %dma_start3A_33] : memref<10000x128xf32, #tpu.memory_space<hbm>> -> memref<624x128xf32, #tpu.memory_space<hbm>>
      tpu.enqueue_dma source(%dma_start3A_34 : memref<624x128xf32, #tpu.memory_space<hbm>>) target(%dma_start3A_32 : memref<624x128xf32, #tpu.memory_space<vmem_shared>>) target_semaphore(%run_scoped3A : memref<!tpu.dma_semaphore, #tpu.memory_space<semaphore_mem>>)
      %dma_wait3A = arith.constant 0 : i32
      %dma_wait3A_35 = tpu.memref_slice %arg8[%mul3A_2, %dma_wait3A] : memref<10000x128xf32, #tpu.memory_space<vmem_shared>> -> memref<624x128xf32, #tpu.memory_space<vmem_shared>>
      %dma_wait3A_36 = arith.constant 0 : i32
      %dma_wait3A_37 = tpu.memref_slice %arg4[%mul3A_0, %dma_wait3A_36] : memref<10000x128xf32, #tpu.memory_space<hbm>> -> memref<624x128xf32, #tpu.memory_space<hbm>>
      tpu.wait_dma2 semaphore(%run_scoped3A : memref<!tpu.dma_semaphore, #tpu.memory_space<semaphore_mem>>) src(%dma_wait3A_37 : memref<624x128xf32, #tpu.memory_space<hbm>>) dst(%dma_wait3A_35 : memref<624x128xf32, #tpu.memory_space<vmem_shared>>)
      tpu.yield
    }) : () -> ()
    %eq3A = arith.constant 15 : i32
    %eq3A_3 = arith.cmpi eq, %arg1, %eq3A : i32
    %convert_element_type3A = arith.extui %eq3A_3 : i1 to i32
    %cond3A = arith.constant 0 : i32
    %cond3A_4 = arith.cmpi ne, %convert_element_type3A, %cond3A : i32
    scf.if %cond3A_4 {
      "tpu.region"() ({
        %run_scoped3A = tpu.sem_alloc : memref<!tpu.dma_semaphore, #tpu.memory_space<semaphore_mem>>
        %dma_start3A = arith.constant 9984 : i32
        %dma_start3A_32 = arith.constant 0 : i32
        %dma_start3A_33 = tpu.memref_slice %arg8[%dma_start3A, %dma_start3A_32] : memref<10000x128xf32, #tpu.memory_space<vmem_shared>> -> memref<16x128xf32, #tpu.memory_space<vmem_shared>>
        %dma_start3A_34 = arith.constant 9984 : i32
        %dma_start3A_35 = arith.constant 0 : i32
        %dma_start3A_36 = tpu.memref_slice %arg4[%dma_start3A_34, %dma_start3A_35] : memref<10000x128xf32, #tpu.memory_space<hbm>> -> memref<16x128xf32, #tpu.memory_space<hbm>>
        tpu.enqueue_dma source(%dma_start3A_36 : memref<16x128xf32, #tpu.memory_space<hbm>>) target(%dma_start3A_33 : memref<16x128xf32, #tpu.memory_space<vmem_shared>>) target_semaphore(%run_scoped3A : memref<!tpu.dma_semaphore, #tpu.memory_space<semaphore_mem>>)
        %dma_wait3A = arith.constant 9984 : i32
        %dma_wait3A_37 = arith.constant 0 : i32
        %dma_wait3A_38 = tpu.memref_slice %arg8[%dma_wait3A, %dma_wait3A_37] : memref<10000x128xf32, #tpu.memory_space<vmem_shared>> -> memref<16x128xf32, #tpu.memory_space<vmem_shared>>
        %dma_wait3A_39 = arith.constant 9984 : i32
        %dma_wait3A_40 = arith.constant 0 : i32
        %dma_wait3A_41 = tpu.memref_slice %arg4[%dma_wait3A_39, %dma_wait3A_40] : memref<10000x128xf32, #tpu.memory_space<hbm>> -> memref<16x128xf32, #tpu.memory_space<hbm>>
        tpu.wait_dma2 semaphore(%run_scoped3A : memref<!tpu.dma_semaphore, #tpu.memory_space<semaphore_mem>>) src(%dma_wait3A_41 : memref<16x128xf32, #tpu.memory_space<hbm>>) dst(%dma_wait3A_38 : memref<16x128xf32, #tpu.memory_space<vmem_shared>>)
        tpu.yield
      }) : () -> ()
    } else {
    }
    %barrier3A = arith.constant 0 : index
    tpu.barrier barrier_id(%barrier3A)
    %mul3A_5 = arith.constant 78 : i32
    %mul3A_6 = arith.muli %arg1, %mul3A_5 : i32
    %min3A = arith.constant 2 : i32
    %min3A_7 = arith.minsi %arg1, %min3A : i32
    %add3A = arith.addi %mul3A_6, %min3A_7 : i32
    %mul3A_8 = arith.constant 1250 : i32
    %mul3A_9 = arith.muli %arg0, %mul3A_8 : i32
    %add3A_10 = arith.addi %mul3A_9, %add3A : i32
    %lt3A = arith.constant 2 : i32
    %lt3A_11 = arith.cmpi slt, %arg1, %lt3A : i32
    "tpu.region"() ({
      %run_scoped3A = tpu.sem_alloc : memref<!tpu.dma_semaphore, #tpu.memory_space<semaphore_mem>>
      %dma_start3A = arith.constant 0 : i32
      %dma_start3A_32 = arith.constant 0 : i32
      %dma_start3A_33 = arith.constant 0 : i32
      %dma_start3A_34 = tpu.memref_slice %arg6[%dma_start3A, %dma_start3A_32, %dma_start3A_33] : memref<79x1x128xi32, #tpu.memory_space<vmem>> -> memref<78x1x128xi32, #tpu.memory_space<vmem>>
      %dma_start3A_35 = arith.constant 0 : i32
      %dma_start3A_36 = arith.constant 0 : i32
      %dma_start3A_37 = tpu.memref_slice %arg3[%add3A_10, %dma_start3A_35, %dma_start3A_36] : memref<2500x1x128xi32, #tpu.memory_space<hbm>> -> memref<78x1x128xi32, #tpu.memory_space<hbm>>
      %dma_start3A_38 = arith.constant 0 : i32
      %dma_start3A_39 = arith.constant 0 : i32
      %dma_start3A_40 = arith.constant 0 : i32
      %dma_start3A_41 = tpu.memref_slice %arg6[%dma_start3A_38, %dma_start3A_39, %dma_start3A_40] : memref<79x1x128xi32, #tpu.memory_space<vmem>> -> memref<78x1x128xi32, #tpu.memory_space<vmem>>
      %dma_start3A_42 = arith.constant 0 : i32
      %dma_start3A_43 = arith.constant 0 : i32
      %dma_start3A_44 = tpu.memref_slice %arg3[%add3A_10, %dma_start3A_42, %dma_start3A_43] : memref<2500x1x128xi32, #tpu.memory_space<hbm>> -> memref<78x1x128xi32, #tpu.memory_space<hbm>>
      tpu.enqueue_dma source(%dma_start3A_44 : memref<78x1x128xi32, #tpu.memory_space<hbm>>) target(%dma_start3A_41 : memref<78x1x128xi32, #tpu.memory_space<vmem>>) target_semaphore(%run_scoped3A : memref<!tpu.dma_semaphore, #tpu.memory_space<semaphore_mem>>)
      %dma_wait3A = arith.constant 0 : i32
      %dma_wait3A_45 = arith.constant 0 : i32
      %dma_wait3A_46 = arith.constant 0 : i32
      %dma_wait3A_47 = tpu.memref_slice %arg6[%dma_wait3A, %dma_wait3A_45, %dma_wait3A_46] : memref<79x1x128xi32, #tpu.memory_space<vmem>> -> memref<78x1x128xi32, #tpu.memory_space<vmem>>
      %dma_wait3A_48 = arith.constant 0 : i32
      %dma_wait3A_49 = arith.constant 0 : i32
      %dma_wait3A_50 = tpu.memref_slice %arg3[%add3A_10, %dma_wait3A_48, %dma_wait3A_49] : memref<2500x1x128xi32, #tpu.memory_space<hbm>> -> memref<78x1x128xi32, #tpu.memory_space<hbm>>
      %dma_wait3A_51 = arith.constant 0 : i32
      %dma_wait3A_52 = arith.constant 0 : i32
      %dma_wait3A_53 = arith.constant 0 : i32
      %dma_wait3A_54 = tpu.memref_slice %arg6[%dma_wait3A_51, %dma_wait3A_52, %dma_wait3A_53] : memref<79x1x128xi32, #tpu.memory_space<vmem>> -> memref<78x1x128xi32, #tpu.memory_space<vmem>>
      %dma_wait3A_55 = arith.constant 0 : i32
      %dma_wait3A_56 = arith.constant 0 : i32
      %dma_wait3A_57 = tpu.memref_slice %arg3[%add3A_10, %dma_wait3A_55, %dma_wait3A_56] : memref<2500x1x128xi32, #tpu.memory_space<hbm>> -> memref<78x1x128xi32, #tpu.memory_space<hbm>>
      tpu.wait_dma2 semaphore(%run_scoped3A : memref<!tpu.dma_semaphore, #tpu.memory_space<semaphore_mem>>) src(%dma_wait3A_57 : memref<78x1x128xi32, #tpu.memory_space<hbm>>) dst(%dma_wait3A_54 : memref<78x1x128xi32, #tpu.memory_space<vmem>>)
      tpu.yield
    }) : () -> ()
    %convert_element_type3A_12 = arith.extui %lt3A_11 : i1 to i32
    %cond3A_13 = arith.constant 0 : i32
    %cond3A_14 = arith.cmpi ne, %convert_element_type3A_12, %cond3A_13 : i32
    scf.if %cond3A_14 {
      %add3A_32 = arith.constant 78 : i32
      %add3A_33 = arith.addi %add3A_10, %add3A_32 : i32
      "tpu.region"() ({
        %run_scoped3A = tpu.sem_alloc : memref<!tpu.dma_semaphore, #tpu.memory_space<semaphore_mem>>
        %dma_start3A = arith.constant 78 : i32
        %dma_start3A_34 = arith.constant 0 : i32
        %dma_start3A_35 = arith.constant 0 : i32
        %dma_start3A_36 = tpu.memref_slice %arg6[%dma_start3A, %dma_start3A_34, %dma_start3A_35] : memref<79x1x128xi32, #tpu.memory_space<vmem>> -> memref<1x1x128xi32, #tpu.memory_space<vmem>>
        %dma_start3A_37 = arith.constant 0 : i32
        %dma_start3A_38 = arith.constant 0 : i32
        %dma_start3A_39 = tpu.memref_slice %arg3[%add3A_33, %dma_start3A_37, %dma_start3A_38] : memref<2500x1x128xi32, #tpu.memory_space<hbm>> -> memref<1x1x128xi32, #tpu.memory_space<hbm>>
        %dma_start3A_40 = arith.constant 78 : i32
        %dma_start3A_41 = arith.constant 0 : i32
        %dma_start3A_42 = arith.constant 0 : i32
        %dma_start3A_43 = tpu.memref_slice %arg6[%dma_start3A_40, %dma_start3A_41, %dma_start3A_42] : memref<79x1x128xi32, #tpu.memory_space<vmem>> -> memref<1x1x128xi32, #tpu.memory_space<vmem>>
        %dma_start3A_44 = arith.constant 0 : i32
        %dma_start3A_45 = arith.constant 0 : i32
        %dma_start3A_46 = tpu.memref_slice %arg3[%add3A_33, %dma_start3A_44, %dma_start3A_45] : memref<2500x1x128xi32, #tpu.memory_space<hbm>> -> memref<1x1x128xi32, #tpu.memory_space<hbm>>
        tpu.enqueue_dma source(%dma_start3A_46 : memref<1x1x128xi32, #tpu.memory_space<hbm>>) target(%dma_start3A_43 : memref<1x1x128xi32, #tpu.memory_space<vmem>>) target_semaphore(%run_scoped3A : memref<!tpu.dma_semaphore, #tpu.memory_space<semaphore_mem>>)
        %dma_wait3A = arith.constant 78 : i32
        %dma_wait3A_47 = arith.constant 0 : i32
        %dma_wait3A_48 = arith.constant 0 : i32
        %dma_wait3A_49 = tpu.memref_slice %arg6[%dma_wait3A, %dma_wait3A_47, %dma_wait3A_48] : memref<79x1x128xi32, #tpu.memory_space<vmem>> -> memref<1x1x128xi32, #tpu.memory_space<vmem>>
        %dma_wait3A_50 = arith.constant 0 : i32
        %dma_wait3A_51 = arith.constant 0 : i32
        %dma_wait3A_52 = tpu.memref_slice %arg3[%add3A_33, %dma_wait3A_50, %dma_wait3A_51] : memref<2500x1x128xi32, #tpu.memory_space<hbm>> -> memref<1x1x128xi32, #tpu.memory_space<hbm>>
        %dma_wait3A_53 = arith.constant 78 : i32
        %dma_wait3A_54 = arith.constant 0 : i32
        %dma_wait3A_55 = arith.constant 0 : i32
        %dma_wait3A_56 = tpu.memref_slice %arg6[%dma_wait3A_53, %dma_wait3A_54, %dma_wait3A_55] : memref<79x1x128xi32, #tpu.memory_space<vmem>> -> memref<1x1x128xi32, #tpu.memory_space<vmem>>
        %dma_wait3A_57 = arith.constant 0 : i32
        %dma_wait3A_58 = arith.constant 0 : i32
        %dma_wait3A_59 = tpu.memref_slice %arg3[%add3A_33, %dma_wait3A_57, %dma_wait3A_58] : memref<2500x1x128xi32, #tpu.memory_space<hbm>> -> memref<1x1x128xi32, #tpu.memory_space<hbm>>
        tpu.wait_dma2 semaphore(%run_scoped3A : memref<!tpu.dma_semaphore, #tpu.memory_space<semaphore_mem>>) src(%dma_wait3A_59 : memref<1x1x128xi32, #tpu.memory_space<hbm>>) dst(%dma_wait3A_56 : memref<1x1x128xi32, #tpu.memory_space<vmem>>)
        tpu.yield
      }) : () -> ()
    } else {
    }
    %scan3A = arith.constant 0 : i32
    %scan3A_15 = arith.constant 78 : i32
    %scan3A_16 = arith.addi %scan3A, %scan3A_15 : i32
    %scan3A_17 = arith.constant 1 : i32
    scf.for %scan3A_32 = %scan3A to %scan3A_16 step %scan3A_17  : i32 {
      %add3A_33 = arith.addi %add3A_10, %scan3A_32 : i32
      %mul3A_34 = arith.constant 128 : i32
      %mul3A_35 = arith.muli %add3A_33, %mul3A_34 : i32
      "tpu.region"() ({
        %run_scoped3A_36 = tpu.sem_alloc : memref<!tpu.dma_semaphore, #tpu.memory_space<semaphore_mem>>
        %dma_start3A = arith.constant 0 : i32
        %dma_start3A_37 = tpu.memref_slice %arg2[%mul3A_35, %dma_start3A] : memref<320000x128xf32, #tpu.memory_space<hbm>> -> memref<128x128xf32, #tpu.memory_space<hbm>>
        %dma_start3A_38 = arith.constant 0 : i32
        %dma_start3A_39 = tpu.memref_slice %arg2[%mul3A_35, %dma_start3A_38] : memref<320000x128xf32, #tpu.memory_space<hbm>> -> memref<128x128xf32, #tpu.memory_space<hbm>>
        tpu.enqueue_dma source(%dma_start3A_39 : memref<128x128xf32, #tpu.memory_space<hbm>>) target(%arg7 : memref<128x128xf32, #tpu.memory_space<vmem>>) target_semaphore(%run_scoped3A_36 : memref<!tpu.dma_semaphore, #tpu.memory_space<semaphore_mem>>)
        %dma_wait3A = arith.constant 0 : i32
        %dma_wait3A_40 = tpu.memref_slice %arg2[%mul3A_35, %dma_wait3A] : memref<320000x128xf32, #tpu.memory_space<hbm>> -> memref<128x128xf32, #tpu.memory_space<hbm>>
        %dma_wait3A_41 = arith.constant 0 : i32
        %dma_wait3A_42 = tpu.memref_slice %arg2[%mul3A_35, %dma_wait3A_41] : memref<320000x128xf32, #tpu.memory_space<hbm>> -> memref<128x128xf32, #tpu.memory_space<hbm>>
        tpu.wait_dma2 semaphore(%run_scoped3A_36 : memref<!tpu.dma_semaphore, #tpu.memory_space<semaphore_mem>>) src(%dma_wait3A_42 : memref<128x128xf32, #tpu.memory_space<hbm>>) dst(%arg7 : memref<128x128xf32, #tpu.memory_space<vmem>>)
        tpu.yield
      }) : () -> ()
      %run_scoped3A = arith.constant 0 : i32
      "tpu.region"() ({
        %run_scoped3A_36 = tpu.sem_alloc : memref<!tpu.dma_semaphore, #tpu.memory_space<semaphore_mem>>
        %dma_start3A = arith.constant 0 : i32
        %dma_start3A_37 = tpu.memref_slice %arg6[%scan3A_32, %run_scoped3A, %dma_start3A] : memref<79x1x128xi32, #tpu.memory_space<vmem>> -> memref<1x1x128xi32, #tpu.memory_space<vmem>>
        %dma_start3A_38 = tpu.memref_squeeze %dma_start3A_37 : memref<1x1x128xi32, #tpu.memory_space<vmem>> -> memref<128xi32, #tpu.memory_space<vmem>>
        %dma_start3A_39 = arith.constant 0 : i32
        %dma_start3A_40 = arith.constant 0 : i32
        %dma_start3A_41 = tpu.memref_slice %arg8[%dma_start3A_39, %dma_start3A_40] : memref<10000x128xf32, #tpu.memory_space<vmem_shared>> -> memref<10000x128xf32, #tpu.memory_space<vmem_shared>>
        tpu.enqueue_indirect_dma source(%arg7 : memref<128x128xf32, #tpu.memory_space<vmem>>) target(%dma_start3A_41 : memref<10000x128xf32, #tpu.memory_space<vmem_shared>>) offsets(%dma_start3A_38 : memref<128xi32, #tpu.memory_space<vmem>>) semaphore(%run_scoped3A_36 : memref<!tpu.dma_semaphore, #tpu.memory_space<semaphore_mem>>) {add = true}
        %dma_wait3A = arith.constant 0 : i32
        %dma_wait3A_42 = tpu.memref_slice %arg6[%scan3A_32, %run_scoped3A, %dma_wait3A] : memref<79x1x128xi32, #tpu.memory_space<vmem>> -> memref<1x1x128xi32, #tpu.memory_space<vmem>>
        %dma_wait3A_43 = tpu.memref_squeeze %dma_wait3A_42 : memref<1x1x128xi32, #tpu.memory_space<vmem>> -> memref<128xi32, #tpu.memory_space<vmem>>
        %dma_wait3A_44 = arith.constant 0 : i32
        %dma_wait3A_45 = arith.constant 0 : i32
        %dma_wait3A_46 = tpu.memref_slice %arg8[%dma_wait3A_44, %dma_wait3A_45] : memref<10000x128xf32, #tpu.memory_space<vmem_shared>> -> memref<10000x128xf32, #tpu.memory_space<vmem_shared>>
        tpu.wait_indirect_dma semaphore(%run_scoped3A_36 : memref<!tpu.dma_semaphore, #tpu.memory_space<semaphore_mem>>) src(%arg7 : memref<128x128xf32, #tpu.memory_space<vmem>>) dst(%dma_wait3A_46 : memref<10000x128xf32, #tpu.memory_space<vmem_shared>>)
        tpu.yield
      }) : () -> ()
    }
    %scan3A_18 = arith.constant 78 : i32
    %convert_element_type3A_19 = arith.extui %lt3A_11 : i1 to i32
    %cond3A_20 = arith.constant 0 : i32
    %cond3A_21 = arith.cmpi ne, %convert_element_type3A_19, %cond3A_20 : i32
    scf.if %cond3A_21 {
      %add3A_32 = arith.constant 78 : i32
      %add3A_33 = arith.addi %add3A_10, %add3A_32 : i32
      %mul3A_34 = arith.constant 128 : i32
      %mul3A_35 = arith.muli %add3A_33, %mul3A_34 : i32
      "tpu.region"() ({
        %run_scoped3A_37 = tpu.sem_alloc : memref<!tpu.dma_semaphore, #tpu.memory_space<semaphore_mem>>
        %dma_start3A = arith.constant 0 : i32
        %dma_start3A_38 = tpu.memref_slice %arg2[%mul3A_35, %dma_start3A] : memref<320000x128xf32, #tpu.memory_space<hbm>> -> memref<128x128xf32, #tpu.memory_space<hbm>>
        %dma_start3A_39 = arith.constant 0 : i32
        %dma_start3A_40 = tpu.memref_slice %arg2[%mul3A_35, %dma_start3A_39] : memref<320000x128xf32, #tpu.memory_space<hbm>> -> memref<128x128xf32, #tpu.memory_space<hbm>>
        tpu.enqueue_dma source(%dma_start3A_40 : memref<128x128xf32, #tpu.memory_space<hbm>>) target(%arg7 : memref<128x128xf32, #tpu.memory_space<vmem>>) target_semaphore(%run_scoped3A_37 : memref<!tpu.dma_semaphore, #tpu.memory_space<semaphore_mem>>)
        %dma_wait3A = arith.constant 0 : i32
        %dma_wait3A_41 = tpu.memref_slice %arg2[%mul3A_35, %dma_wait3A] : memref<320000x128xf32, #tpu.memory_space<hbm>> -> memref<128x128xf32, #tpu.memory_space<hbm>>
        %dma_wait3A_42 = arith.constant 0 : i32
        %dma_wait3A_43 = tpu.memref_slice %arg2[%mul3A_35, %dma_wait3A_42] : memref<320000x128xf32, #tpu.memory_space<hbm>> -> memref<128x128xf32, #tpu.memory_space<hbm>>
        tpu.wait_dma2 semaphore(%run_scoped3A_37 : memref<!tpu.dma_semaphore, #tpu.memory_space<semaphore_mem>>) src(%dma_wait3A_43 : memref<128x128xf32, #tpu.memory_space<hbm>>) dst(%arg7 : memref<128x128xf32, #tpu.memory_space<vmem>>)
        tpu.yield
      }) : () -> ()
      %run_scoped3A = arith.constant 78 : i32
      %run_scoped3A_36 = arith.constant 0 : i32
      "tpu.region"() ({
        %run_scoped3A_37 = tpu.sem_alloc : memref<!tpu.dma_semaphore, #tpu.memory_space<semaphore_mem>>
        %dma_start3A = arith.constant 0 : i32
        %dma_start3A_38 = tpu.memref_slice %arg6[%run_scoped3A, %run_scoped3A_36, %dma_start3A] : memref<79x1x128xi32, #tpu.memory_space<vmem>> -> memref<1x1x128xi32, #tpu.memory_space<vmem>>
        %dma_start3A_39 = tpu.memref_squeeze %dma_start3A_38 : memref<1x1x128xi32, #tpu.memory_space<vmem>> -> memref<128xi32, #tpu.memory_space<vmem>>
        %dma_start3A_40 = arith.constant 0 : i32
        %dma_start3A_41 = arith.constant 0 : i32
        %dma_start3A_42 = tpu.memref_slice %arg8[%dma_start3A_40, %dma_start3A_41] : memref<10000x128xf32, #tpu.memory_space<vmem_shared>> -> memref<10000x128xf32, #tpu.memory_space<vmem_shared>>
        tpu.enqueue_indirect_dma source(%arg7 : memref<128x128xf32, #tpu.memory_space<vmem>>) target(%dma_start3A_42 : memref<10000x128xf32, #tpu.memory_space<vmem_shared>>) offsets(%dma_start3A_39 : memref<128xi32, #tpu.memory_space<vmem>>) semaphore(%run_scoped3A_37 : memref<!tpu.dma_semaphore, #tpu.memory_space<semaphore_mem>>) {add = true}
        %dma_wait3A = arith.constant 0 : i32
        %dma_wait3A_43 = tpu.memref_slice %arg6[%run_scoped3A, %run_scoped3A_36, %dma_wait3A] : memref<79x1x128xi32, #tpu.memory_space<vmem>> -> memref<1x1x128xi32, #tpu.memory_space<vmem>>
        %dma_wait3A_44 = tpu.memref_squeeze %dma_wait3A_43 : memref<1x1x128xi32, #tpu.memory_space<vmem>> -> memref<128xi32, #tpu.memory_space<vmem>>
        %dma_wait3A_45 = arith.constant 0 : i32
        %dma_wait3A_46 = arith.constant 0 : i32
        %dma_wait3A_47 = tpu.memref_slice %arg8[%dma_wait3A_45, %dma_wait3A_46] : memref<10000x128xf32, #tpu.memory_space<vmem_shared>> -> memref<10000x128xf32, #tpu.memory_space<vmem_shared>>
        tpu.wait_indirect_dma semaphore(%run_scoped3A_37 : memref<!tpu.dma_semaphore, #tpu.memory_space<semaphore_mem>>) src(%arg7 : memref<128x128xf32, #tpu.memory_space<vmem>>) dst(%dma_wait3A_47 : memref<10000x128xf32, #tpu.memory_space<vmem_shared>>)
        tpu.yield
      }) : () -> ()
    } else {
    }
    %barrier3A_22 = arith.constant 0 : index
    tpu.barrier barrier_id(%barrier3A_22)
    %mul3A_23 = arith.constant 624 : i32
    %mul3A_24 = arith.muli %arg1, %mul3A_23 : i32
    %mul3A_25 = arith.constant 624 : i32
    %mul3A_26 = arith.muli %arg1, %mul3A_25 : i32
    "tpu.region"() ({
      %run_scoped3A = tpu.sem_alloc : memref<!tpu.dma_semaphore, #tpu.memory_space<semaphore_mem>>
      %dma_start3A = arith.constant 0 : i32
      %dma_start3A_32 = tpu.memref_slice %arg5[%arg0, %mul3A_26, %dma_start3A] : memref<2x10000x128xf32, #tpu.memory_space<hbm>> -> memref<1x624x128xf32, #tpu.memory_space<hbm>>
      %dma_start3A_33 = tpu.memref_squeeze %dma_start3A_32 : memref<1x624x128xf32, #tpu.memory_space<hbm>> -> memref<624x128xf32, #tpu.memory_space<hbm>>
      %dma_start3A_34 = arith.constant 0 : i32
      %dma_start3A_35 = tpu.memref_slice %arg8[%mul3A_24, %dma_start3A_34] : memref<10000x128xf32, #tpu.memory_space<vmem_shared>> -> memref<624x128xf32, #tpu.memory_space<vmem_shared>>
      tpu.enqueue_dma source(%dma_start3A_35 : memref<624x128xf32, #tpu.memory_space<vmem_shared>>) target(%dma_start3A_33 : memref<624x128xf32, #tpu.memory_space<hbm>>) target_semaphore(%run_scoped3A : memref<!tpu.dma_semaphore, #tpu.memory_space<semaphore_mem>>)
      %dma_wait3A = arith.constant 0 : i32
      %dma_wait3A_36 = tpu.memref_slice %arg5[%arg0, %mul3A_26, %dma_wait3A] : memref<2x10000x128xf32, #tpu.memory_space<hbm>> -> memref<1x624x128xf32, #tpu.memory_space<hbm>>
      %dma_wait3A_37 = tpu.memref_squeeze %dma_wait3A_36 : memref<1x624x128xf32, #tpu.memory_space<hbm>> -> memref<624x128xf32, #tpu.memory_space<hbm>>
      %dma_wait3A_38 = arith.constant 0 : i32
      %dma_wait3A_39 = tpu.memref_slice %arg8[%mul3A_24, %dma_wait3A_38] : memref<10000x128xf32, #tpu.memory_space<vmem_shared>> -> memref<624x128xf32, #tpu.memory_space<vmem_shared>>
      tpu.wait_dma2 semaphore(%run_scoped3A : memref<!tpu.dma_semaphore, #tpu.memory_space<semaphore_mem>>) src(%dma_wait3A_39 : memref<624x128xf32, #tpu.memory_space<vmem_shared>>) dst(%dma_wait3A_37 : memref<624x128xf32, #tpu.memory_space<hbm>>)
      tpu.yield
    }) : () -> ()
    %eq3A_27 = arith.constant 15 : i32
    %eq3A_28 = arith.cmpi eq, %arg1, %eq3A_27 : i32
    %convert_element_type3A_29 = arith.extui %eq3A_28 : i1 to i32
    %cond3A_30 = arith.constant 0 : i32
    %cond3A_31 = arith.cmpi ne, %convert_element_type3A_29, %cond3A_30 : i32
    scf.if %cond3A_31 {
      "tpu.region"() ({
        %run_scoped3A = tpu.sem_alloc : memref<!tpu.dma_semaphore, #tpu.memory_space<semaphore_mem>>
        %dma_start3A = arith.constant 9984 : i32
        %dma_start3A_32 = arith.constant 0 : i32
        %dma_start3A_33 = tpu.memref_slice %arg5[%arg0, %dma_start3A, %dma_start3A_32] : memref<2x10000x128xf32, #tpu.memory_space<hbm>> -> memref<1x16x128xf32, #tpu.memory_space<hbm>>
        %dma_start3A_34 = tpu.memref_squeeze %dma_start3A_33 : memref<1x16x128xf32, #tpu.memory_space<hbm>> -> memref<16x128xf32, #tpu.memory_space<hbm>>
        %dma_start3A_35 = arith.constant 9984 : i32
        %dma_start3A_36 = arith.constant 0 : i32
        %dma_start3A_37 = tpu.memref_slice %arg8[%dma_start3A_35, %dma_start3A_36] : memref<10000x128xf32, #tpu.memory_space<vmem_shared>> -> memref<16x128xf32, #tpu.memory_space<vmem_shared>>
        tpu.enqueue_dma source(%dma_start3A_37 : memref<16x128xf32, #tpu.memory_space<vmem_shared>>) target(%dma_start3A_34 : memref<16x128xf32, #tpu.memory_space<hbm>>) target_semaphore(%run_scoped3A : memref<!tpu.dma_semaphore, #tpu.memory_space<semaphore_mem>>)
        %dma_wait3A = arith.constant 9984 : i32
        %dma_wait3A_38 = arith.constant 0 : i32
        %dma_wait3A_39 = tpu.memref_slice %arg5[%arg0, %dma_wait3A, %dma_wait3A_38] : memref<2x10000x128xf32, #tpu.memory_space<hbm>> -> memref<1x16x128xf32, #tpu.memory_space<hbm>>
        %dma_wait3A_40 = tpu.memref_squeeze %dma_wait3A_39 : memref<1x16x128xf32, #tpu.memory_space<hbm>> -> memref<16x128xf32, #tpu.memory_space<hbm>>
        %dma_wait3A_41 = arith.constant 9984 : i32
        %dma_wait3A_42 = arith.constant 0 : i32
        %dma_wait3A_43 = tpu.memref_slice %arg8[%dma_wait3A_41, %dma_wait3A_42] : memref<10000x128xf32, #tpu.memory_space<vmem_shared>> -> memref<16x128xf32, #tpu.memory_space<vmem_shared>>
        tpu.wait_dma2 semaphore(%run_scoped3A : memref<!tpu.dma_semaphore, #tpu.memory_space<semaphore_mem>>) src(%dma_wait3A_43 : memref<16x128xf32, #tpu.memory_space<vmem_shared>>) dst(%dma_wait3A_40 : memref<16x128xf32, #tpu.memory_space<hbm>>)
        tpu.yield
      }) : () -> ()
    } else {
    }
    return
  }
}

#map = affine_map<(d0, d1) -> (0, 0)>
#map1 = affine_map<(d0, d1) -> (0, 0, 0)>
module attributes {stable_mosaic.version = 14 : i64} {
  func.func @gather_k(%arg0: i32, %arg1: i32, %arg2: memref<10000x128xf32, #tpu.memory_space<hbm>>, %arg3: memref<2500x1x128xi32, #tpu.memory_space<hbm>>, %arg4: memref<2500x1x128xi32, #tpu.memory_space<hbm>>, %arg5: memref<320000x128xf32, #tpu.memory_space<hbm>>, %arg6: memref<320000x128xf32, #tpu.memory_space<hbm>>, %arg7: memref<79x1x128xi32, #tpu.memory_space<vmem>>, %arg8: memref<79x1x128xi32, #tpu.memory_space<vmem>>, %arg9: memref<128x128xf32, #tpu.memory_space<vmem>>, %arg10: memref<128x128xf32, #tpu.memory_space<vmem>>, %arg11: memref<!tpu.dma_semaphore, #tpu.memory_space<semaphore_mem>>, %arg12: memref<!tpu.dma_semaphore, #tpu.memory_space<semaphore_mem>>) attributes {dimension_semantics = [#tpu.dimension_semantics<core_parallel>, #tpu.dimension_semantics<subcore_parallel>], iteration_bounds = array<i64: 2, 16>, scalar_prefetch = 0 : i64, scratch_operands = 6 : i64, tpu.core_type = #tpu.core_type<sc_vector_subcore>, window_params = [{transform_indices = #map}, {transform_indices = #map1}, {transform_indices = #map1}, {transform_indices = #map}, {transform_indices = #map}]} {
    %mul3A = arith.constant 2 : i32
    %mul3A_0 = arith.muli %arg1, %mul3A : i32
    %add3A = arith.addi %mul3A_0, %arg0 : i32
    %mul3A_1 = arith.constant 78 : i32
    %mul3A_2 = arith.muli %add3A, %mul3A_1 : i32
    %min3A = arith.constant 4 : i32
    %min3A_3 = arith.minsi %add3A, %min3A : i32
    %add3A_4 = arith.addi %mul3A_2, %min3A_3 : i32
    %lt3A = arith.constant 4 : i32
    %lt3A_5 = arith.cmpi slt, %add3A, %lt3A : i32
    "tpu.region"() ({
      %run_scoped3A = tpu.sem_alloc : memref<!tpu.dma_semaphore, #tpu.memory_space<semaphore_mem>>
      %dma_start3A = arith.constant 0 : i32
      %dma_start3A_14 = arith.constant 0 : i32
      %dma_start3A_15 = arith.constant 0 : i32
      %dma_start3A_16 = tpu.memref_slice %arg7[%dma_start3A, %dma_start3A_14, %dma_start3A_15] : memref<79x1x128xi32, #tpu.memory_space<vmem>> -> memref<78x1x128xi32, #tpu.memory_space<vmem>>
      %dma_start3A_17 = arith.constant 0 : i32
      %dma_start3A_18 = arith.constant 0 : i32
      %dma_start3A_19 = tpu.memref_slice %arg3[%add3A_4, %dma_start3A_17, %dma_start3A_18] : memref<2500x1x128xi32, #tpu.memory_space<hbm>> -> memref<78x1x128xi32, #tpu.memory_space<hbm>>
      %dma_start3A_20 = arith.constant 0 : i32
      %dma_start3A_21 = arith.constant 0 : i32
      %dma_start3A_22 = arith.constant 0 : i32
      %dma_start3A_23 = tpu.memref_slice %arg7[%dma_start3A_20, %dma_start3A_21, %dma_start3A_22] : memref<79x1x128xi32, #tpu.memory_space<vmem>> -> memref<78x1x128xi32, #tpu.memory_space<vmem>>
      %dma_start3A_24 = arith.constant 0 : i32
      %dma_start3A_25 = arith.constant 0 : i32
      %dma_start3A_26 = tpu.memref_slice %arg3[%add3A_4, %dma_start3A_24, %dma_start3A_25] : memref<2500x1x128xi32, #tpu.memory_space<hbm>> -> memref<78x1x128xi32, #tpu.memory_space<hbm>>
      tpu.enqueue_dma source(%dma_start3A_26 : memref<78x1x128xi32, #tpu.memory_space<hbm>>) target(%dma_start3A_23 : memref<78x1x128xi32, #tpu.memory_space<vmem>>) target_semaphore(%run_scoped3A : memref<!tpu.dma_semaphore, #tpu.memory_space<semaphore_mem>>)
      %dma_wait3A = arith.constant 0 : i32
      %dma_wait3A_27 = arith.constant 0 : i32
      %dma_wait3A_28 = arith.constant 0 : i32
      %dma_wait3A_29 = tpu.memref_slice %arg7[%dma_wait3A, %dma_wait3A_27, %dma_wait3A_28] : memref<79x1x128xi32, #tpu.memory_space<vmem>> -> memref<78x1x128xi32, #tpu.memory_space<vmem>>
      %dma_wait3A_30 = arith.constant 0 : i32
      %dma_wait3A_31 = arith.constant 0 : i32
      %dma_wait3A_32 = tpu.memref_slice %arg3[%add3A_4, %dma_wait3A_30, %dma_wait3A_31] : memref<2500x1x128xi32, #tpu.memory_space<hbm>> -> memref<78x1x128xi32, #tpu.memory_space<hbm>>
      %dma_wait3A_33 = arith.constant 0 : i32
      %dma_wait3A_34 = arith.constant 0 : i32
      %dma_wait3A_35 = arith.constant 0 : i32
      %dma_wait3A_36 = tpu.memref_slice %arg7[%dma_wait3A_33, %dma_wait3A_34, %dma_wait3A_35] : memref<79x1x128xi32, #tpu.memory_space<vmem>> -> memref<78x1x128xi32, #tpu.memory_space<vmem>>
      %dma_wait3A_37 = arith.constant 0 : i32
      %dma_wait3A_38 = arith.constant 0 : i32
      %dma_wait3A_39 = tpu.memref_slice %arg3[%add3A_4, %dma_wait3A_37, %dma_wait3A_38] : memref<2500x1x128xi32, #tpu.memory_space<hbm>> -> memref<78x1x128xi32, #tpu.memory_space<hbm>>
      tpu.wait_dma2 semaphore(%run_scoped3A : memref<!tpu.dma_semaphore, #tpu.memory_space<semaphore_mem>>) src(%dma_wait3A_39 : memref<78x1x128xi32, #tpu.memory_space<hbm>>) dst(%dma_wait3A_36 : memref<78x1x128xi32, #tpu.memory_space<vmem>>)
      tpu.yield
    }) : () -> ()
    "tpu.region"() ({
      %run_scoped3A = tpu.sem_alloc : memref<!tpu.dma_semaphore, #tpu.memory_space<semaphore_mem>>
      %dma_start3A = arith.constant 0 : i32
      %dma_start3A_14 = arith.constant 0 : i32
      %dma_start3A_15 = arith.constant 0 : i32
      %dma_start3A_16 = tpu.memref_slice %arg8[%dma_start3A, %dma_start3A_14, %dma_start3A_15] : memref<79x1x128xi32, #tpu.memory_space<vmem>> -> memref<78x1x128xi32, #tpu.memory_space<vmem>>
      %dma_start3A_17 = arith.constant 0 : i32
      %dma_start3A_18 = arith.constant 0 : i32
      %dma_start3A_19 = tpu.memref_slice %arg4[%add3A_4, %dma_start3A_17, %dma_start3A_18] : memref<2500x1x128xi32, #tpu.memory_space<hbm>> -> memref<78x1x128xi32, #tpu.memory_space<hbm>>
      %dma_start3A_20 = arith.constant 0 : i32
      %dma_start3A_21 = arith.constant 0 : i32
      %dma_start3A_22 = arith.constant 0 : i32
      %dma_start3A_23 = tpu.memref_slice %arg8[%dma_start3A_20, %dma_start3A_21, %dma_start3A_22] : memref<79x1x128xi32, #tpu.memory_space<vmem>> -> memref<78x1x128xi32, #tpu.memory_space<vmem>>
      %dma_start3A_24 = arith.constant 0 : i32
      %dma_start3A_25 = arith.constant 0 : i32
      %dma_start3A_26 = tpu.memref_slice %arg4[%add3A_4, %dma_start3A_24, %dma_start3A_25] : memref<2500x1x128xi32, #tpu.memory_space<hbm>> -> memref<78x1x128xi32, #tpu.memory_space<hbm>>
      tpu.enqueue_dma source(%dma_start3A_26 : memref<78x1x128xi32, #tpu.memory_space<hbm>>) target(%dma_start3A_23 : memref<78x1x128xi32, #tpu.memory_space<vmem>>) target_semaphore(%run_scoped3A : memref<!tpu.dma_semaphore, #tpu.memory_space<semaphore_mem>>)
      %dma_wait3A = arith.constant 0 : i32
      %dma_wait3A_27 = arith.constant 0 : i32
      %dma_wait3A_28 = arith.constant 0 : i32
      %dma_wait3A_29 = tpu.memref_slice %arg8[%dma_wait3A, %dma_wait3A_27, %dma_wait3A_28] : memref<79x1x128xi32, #tpu.memory_space<vmem>> -> memref<78x1x128xi32, #tpu.memory_space<vmem>>
      %dma_wait3A_30 = arith.constant 0 : i32
      %dma_wait3A_31 = arith.constant 0 : i32
      %dma_wait3A_32 = tpu.memref_slice %arg4[%add3A_4, %dma_wait3A_30, %dma_wait3A_31] : memref<2500x1x128xi32, #tpu.memory_space<hbm>> -> memref<78x1x128xi32, #tpu.memory_space<hbm>>
      %dma_wait3A_33 = arith.constant 0 : i32
      %dma_wait3A_34 = arith.constant 0 : i32
      %dma_wait3A_35 = arith.constant 0 : i32
      %dma_wait3A_36 = tpu.memref_slice %arg8[%dma_wait3A_33, %dma_wait3A_34, %dma_wait3A_35] : memref<79x1x128xi32, #tpu.memory_space<vmem>> -> memref<78x1x128xi32, #tpu.memory_space<vmem>>
      %dma_wait3A_37 = arith.constant 0 : i32
      %dma_wait3A_38 = arith.constant 0 : i32
      %dma_wait3A_39 = tpu.memref_slice %arg4[%add3A_4, %dma_wait3A_37, %dma_wait3A_38] : memref<2500x1x128xi32, #tpu.memory_space<hbm>> -> memref<78x1x128xi32, #tpu.memory_space<hbm>>
      tpu.wait_dma2 semaphore(%run_scoped3A : memref<!tpu.dma_semaphore, #tpu.memory_space<semaphore_mem>>) src(%dma_wait3A_39 : memref<78x1x128xi32, #tpu.memory_space<hbm>>) dst(%dma_wait3A_36 : memref<78x1x128xi32, #tpu.memory_space<vmem>>)
      tpu.yield
    }) : () -> ()
    %convert_element_type3A = arith.extui %lt3A_5 : i1 to i32
    %cond3A = arith.constant 0 : i32
    %cond3A_6 = arith.cmpi ne, %convert_element_type3A, %cond3A : i32
    scf.if %cond3A_6 {
      %add3A_14 = arith.constant 78 : i32
      %add3A_15 = arith.addi %add3A_4, %add3A_14 : i32
      "tpu.region"() ({
        %run_scoped3A = tpu.sem_alloc : memref<!tpu.dma_semaphore, #tpu.memory_space<semaphore_mem>>
        %dma_start3A = arith.constant 78 : i32
        %dma_start3A_18 = arith.constant 0 : i32
        %dma_start3A_19 = arith.constant 0 : i32
        %dma_start3A_20 = tpu.memref_slice %arg7[%dma_start3A, %dma_start3A_18, %dma_start3A_19] : memref<79x1x128xi32, #tpu.memory_space<vmem>> -> memref<1x1x128xi32, #tpu.memory_space<vmem>>
        %dma_start3A_21 = arith.constant 0 : i32
        %dma_start3A_22 = arith.constant 0 : i32
        %dma_start3A_23 = tpu.memref_slice %arg3[%add3A_15, %dma_start3A_21, %dma_start3A_22] : memref<2500x1x128xi32, #tpu.memory_space<hbm>> -> memref<1x1x128xi32, #tpu.memory_space<hbm>>
        %dma_start3A_24 = arith.constant 78 : i32
        %dma_start3A_25 = arith.constant 0 : i32
        %dma_start3A_26 = arith.constant 0 : i32
        %dma_start3A_27 = tpu.memref_slice %arg7[%dma_start3A_24, %dma_start3A_25, %dma_start3A_26] : memref<79x1x128xi32, #tpu.memory_space<vmem>> -> memref<1x1x128xi32, #tpu.memory_space<vmem>>
        %dma_start3A_28 = arith.constant 0 : i32
        %dma_start3A_29 = arith.constant 0 : i32
        %dma_start3A_30 = tpu.memref_slice %arg3[%add3A_15, %dma_start3A_28, %dma_start3A_29] : memref<2500x1x128xi32, #tpu.memory_space<hbm>> -> memref<1x1x128xi32, #tpu.memory_space<hbm>>
        tpu.enqueue_dma source(%dma_start3A_30 : memref<1x1x128xi32, #tpu.memory_space<hbm>>) target(%dma_start3A_27 : memref<1x1x128xi32, #tpu.memory_space<vmem>>) target_semaphore(%run_scoped3A : memref<!tpu.dma_semaphore, #tpu.memory_space<semaphore_mem>>)
        %dma_wait3A = arith.constant 78 : i32
        %dma_wait3A_31 = arith.constant 0 : i32
        %dma_wait3A_32 = arith.constant 0 : i32
        %dma_wait3A_33 = tpu.memref_slice %arg7[%dma_wait3A, %dma_wait3A_31, %dma_wait3A_32] : memref<79x1x128xi32, #tpu.memory_space<vmem>> -> memref<1x1x128xi32, #tpu.memory_space<vmem>>
        %dma_wait3A_34 = arith.constant 0 : i32
        %dma_wait3A_35 = arith.constant 0 : i32
        %dma_wait3A_36 = tpu.memref_slice %arg3[%add3A_15, %dma_wait3A_34, %dma_wait3A_35] : memref<2500x1x128xi32, #tpu.memory_space<hbm>> -> memref<1x1x128xi32, #tpu.memory_space<hbm>>
        %dma_wait3A_37 = arith.constant 78 : i32
        %dma_wait3A_38 = arith.constant 0 : i32
        %dma_wait3A_39 = arith.constant 0 : i32
        %dma_wait3A_40 = tpu.memref_slice %arg7[%dma_wait3A_37, %dma_wait3A_38, %dma_wait3A_39] : memref<79x1x128xi32, #tpu.memory_space<vmem>> -> memref<1x1x128xi32, #tpu.memory_space<vmem>>
        %dma_wait3A_41 = arith.constant 0 : i32
        %dma_wait3A_42 = arith.constant 0 : i32
        %dma_wait3A_43 = tpu.memref_slice %arg3[%add3A_15, %dma_wait3A_41, %dma_wait3A_42] : memref<2500x1x128xi32, #tpu.memory_space<hbm>> -> memref<1x1x128xi32, #tpu.memory_space<hbm>>
        tpu.wait_dma2 semaphore(%run_scoped3A : memref<!tpu.dma_semaphore, #tpu.memory_space<semaphore_mem>>) src(%dma_wait3A_43 : memref<1x1x128xi32, #tpu.memory_space<hbm>>) dst(%dma_wait3A_40 : memref<1x1x128xi32, #tpu.memory_space<vmem>>)
        tpu.yield
      }) : () -> ()
      %add3A_16 = arith.constant 78 : i32
      %add3A_17 = arith.addi %add3A_4, %add3A_16 : i32
      "tpu.region"() ({
        %run_scoped3A = tpu.sem_alloc : memref<!tpu.dma_semaphore, #tpu.memory_space<semaphore_mem>>
        %dma_start3A = arith.constant 78 : i32
        %dma_start3A_18 = arith.constant 0 : i32
        %dma_start3A_19 = arith.constant 0 : i32
        %dma_start3A_20 = tpu.memref_slice %arg8[%dma_start3A, %dma_start3A_18, %dma_start3A_19] : memref<79x1x128xi32, #tpu.memory_space<vmem>> -> memref<1x1x128xi32, #tpu.memory_space<vmem>>
        %dma_start3A_21 = arith.constant 0 : i32
        %dma_start3A_22 = arith.constant 0 : i32
        %dma_start3A_23 = tpu.memref_slice %arg4[%add3A_17, %dma_start3A_21, %dma_start3A_22] : memref<2500x1x128xi32, #tpu.memory_space<hbm>> -> memref<1x1x128xi32, #tpu.memory_space<hbm>>
        %dma_start3A_24 = arith.constant 78 : i32
        %dma_start3A_25 = arith.constant 0 : i32
        %dma_start3A_26 = arith.constant 0 : i32
        %dma_start3A_27 = tpu.memref_slice %arg8[%dma_start3A_24, %dma_start3A_25, %dma_start3A_26] : memref<79x1x128xi32, #tpu.memory_space<vmem>> -> memref<1x1x128xi32, #tpu.memory_space<vmem>>
        %dma_start3A_28 = arith.constant 0 : i32
        %dma_start3A_29 = arith.constant 0 : i32
        %dma_start3A_30 = tpu.memref_slice %arg4[%add3A_17, %dma_start3A_28, %dma_start3A_29] : memref<2500x1x128xi32, #tpu.memory_space<hbm>> -> memref<1x1x128xi32, #tpu.memory_space<hbm>>
        tpu.enqueue_dma source(%dma_start3A_30 : memref<1x1x128xi32, #tpu.memory_space<hbm>>) target(%dma_start3A_27 : memref<1x1x128xi32, #tpu.memory_space<vmem>>) target_semaphore(%run_scoped3A : memref<!tpu.dma_semaphore, #tpu.memory_space<semaphore_mem>>)
        %dma_wait3A = arith.constant 78 : i32
        %dma_wait3A_31 = arith.constant 0 : i32
        %dma_wait3A_32 = arith.constant 0 : i32
        %dma_wait3A_33 = tpu.memref_slice %arg8[%dma_wait3A, %dma_wait3A_31, %dma_wait3A_32] : memref<79x1x128xi32, #tpu.memory_space<vmem>> -> memref<1x1x128xi32, #tpu.memory_space<vmem>>
        %dma_wait3A_34 = arith.constant 0 : i32
        %dma_wait3A_35 = arith.constant 0 : i32
        %dma_wait3A_36 = tpu.memref_slice %arg4[%add3A_17, %dma_wait3A_34, %dma_wait3A_35] : memref<2500x1x128xi32, #tpu.memory_space<hbm>> -> memref<1x1x128xi32, #tpu.memory_space<hbm>>
        %dma_wait3A_37 = arith.constant 78 : i32
        %dma_wait3A_38 = arith.constant 0 : i32
        %dma_wait3A_39 = arith.constant 0 : i32
        %dma_wait3A_40 = tpu.memref_slice %arg8[%dma_wait3A_37, %dma_wait3A_38, %dma_wait3A_39] : memref<79x1x128xi32, #tpu.memory_space<vmem>> -> memref<1x1x128xi32, #tpu.memory_space<vmem>>
        %dma_wait3A_41 = arith.constant 0 : i32
        %dma_wait3A_42 = arith.constant 0 : i32
        %dma_wait3A_43 = tpu.memref_slice %arg4[%add3A_17, %dma_wait3A_41, %dma_wait3A_42] : memref<2500x1x128xi32, #tpu.memory_space<hbm>> -> memref<1x1x128xi32, #tpu.memory_space<hbm>>
        tpu.wait_dma2 semaphore(%run_scoped3A : memref<!tpu.dma_semaphore, #tpu.memory_space<semaphore_mem>>) src(%dma_wait3A_43 : memref<1x1x128xi32, #tpu.memory_space<hbm>>) dst(%dma_wait3A_40 : memref<1x1x128xi32, #tpu.memory_space<vmem>>)
        tpu.yield
      }) : () -> ()
    } else {
    }
    %scan3A = arith.constant 0 : i32
    %scan3A_7 = arith.constant 78 : i32
    %scan3A_8 = arith.addi %scan3A, %scan3A_7 : i32
    %scan3A_9 = arith.constant 1 : i32
    scf.for %scan3A_14 = %scan3A to %scan3A_8 step %scan3A_9  : i32 {
      %add3A_15 = arith.addi %add3A_4, %scan3A_14 : i32
      %mul3A_16 = arith.constant 128 : i32
      %mul3A_17 = arith.muli %add3A_15, %mul3A_16 : i32
      %dma_start3A = arith.constant 0 : i32
      %dma_start3A_18 = arith.constant 0 : i32
      %dma_start3A_19 = tpu.memref_slice %arg7[%scan3A_14, %dma_start3A, %dma_start3A_18] : memref<79x1x128xi32, #tpu.memory_space<vmem>> -> memref<1x1x128xi32, #tpu.memory_space<vmem>>
      %dma_start3A_20 = tpu.memref_squeeze %dma_start3A_19 : memref<1x1x128xi32, #tpu.memory_space<vmem>> -> memref<128xi32, #tpu.memory_space<vmem>>
      %dma_start3A_21 = arith.constant 0 : i32
      %dma_start3A_22 = arith.constant 0 : i32
      %dma_start3A_23 = tpu.memref_slice %arg2[%dma_start3A_21, %dma_start3A_22] : memref<10000x128xf32, #tpu.memory_space<hbm>> -> memref<10000x128xf32, #tpu.memory_space<hbm>>
      tpu.enqueue_indirect_dma source(%dma_start3A_23 : memref<10000x128xf32, #tpu.memory_space<hbm>>) target(%arg9 : memref<128x128xf32, #tpu.memory_space<vmem>>) offsets(%dma_start3A_20 : memref<128xi32, #tpu.memory_space<vmem>>) semaphore(%arg11 : memref<!tpu.dma_semaphore, #tpu.memory_space<semaphore_mem>>)
      %dma_start3A_24 = arith.constant 0 : i32
      %dma_start3A_25 = arith.constant 0 : i32
      %dma_start3A_26 = tpu.memref_slice %arg8[%scan3A_14, %dma_start3A_24, %dma_start3A_25] : memref<79x1x128xi32, #tpu.memory_space<vmem>> -> memref<1x1x128xi32, #tpu.memory_space<vmem>>
      %dma_start3A_27 = tpu.memref_squeeze %dma_start3A_26 : memref<1x1x128xi32, #tpu.memory_space<vmem>> -> memref<128xi32, #tpu.memory_space<vmem>>
      %dma_start3A_28 = arith.constant 0 : i32
      %dma_start3A_29 = arith.constant 0 : i32
      %dma_start3A_30 = tpu.memref_slice %arg2[%dma_start3A_28, %dma_start3A_29] : memref<10000x128xf32, #tpu.memory_space<hbm>> -> memref<10000x128xf32, #tpu.memory_space<hbm>>
      tpu.enqueue_indirect_dma source(%dma_start3A_30 : memref<10000x128xf32, #tpu.memory_space<hbm>>) target(%arg10 : memref<128x128xf32, #tpu.memory_space<vmem>>) offsets(%dma_start3A_27 : memref<128xi32, #tpu.memory_space<vmem>>) semaphore(%arg12 : memref<!tpu.dma_semaphore, #tpu.memory_space<semaphore_mem>>)
      %dma_wait3A = arith.constant 0 : i32
      %dma_wait3A_31 = arith.constant 0 : i32
      %dma_wait3A_32 = tpu.memref_slice %arg7[%scan3A_14, %dma_wait3A, %dma_wait3A_31] : memref<79x1x128xi32, #tpu.memory_space<vmem>> -> memref<1x1x128xi32, #tpu.memory_space<vmem>>
      %dma_wait3A_33 = tpu.memref_squeeze %dma_wait3A_32 : memref<1x1x128xi32, #tpu.memory_space<vmem>> -> memref<128xi32, #tpu.memory_space<vmem>>
      %dma_wait3A_34 = arith.constant 0 : i32
      %dma_wait3A_35 = arith.constant 0 : i32
      %dma_wait3A_36 = tpu.memref_slice %arg2[%dma_wait3A_34, %dma_wait3A_35] : memref<10000x128xf32, #tpu.memory_space<hbm>> -> memref<10000x128xf32, #tpu.memory_space<hbm>>
      tpu.wait_indirect_dma semaphore(%arg11 : memref<!tpu.dma_semaphore, #tpu.memory_space<semaphore_mem>>) src(%dma_wait3A_36 : memref<10000x128xf32, #tpu.memory_space<hbm>>) dst(%arg9 : memref<128x128xf32, #tpu.memory_space<vmem>>)
      "tpu.region"() ({
        %run_scoped3A = tpu.sem_alloc : memref<!tpu.dma_semaphore, #tpu.memory_space<semaphore_mem>>
        %dma_start3A_44 = arith.constant 0 : i32
        %dma_start3A_45 = tpu.memref_slice %arg5[%mul3A_17, %dma_start3A_44] : memref<320000x128xf32, #tpu.memory_space<hbm>> -> memref<128x128xf32, #tpu.memory_space<hbm>>
        %dma_start3A_46 = arith.constant 0 : i32
        %dma_start3A_47 = tpu.memref_slice %arg5[%mul3A_17, %dma_start3A_46] : memref<320000x128xf32, #tpu.memory_space<hbm>> -> memref<128x128xf32, #tpu.memory_space<hbm>>
        tpu.enqueue_dma source(%arg9 : memref<128x128xf32, #tpu.memory_space<vmem>>) target(%dma_start3A_47 : memref<128x128xf32, #tpu.memory_space<hbm>>) target_semaphore(%run_scoped3A : memref<!tpu.dma_semaphore, #tpu.memory_space<semaphore_mem>>)
        %dma_wait3A_48 = arith.constant 0 : i32
        %dma_wait3A_49 = tpu.memref_slice %arg5[%mul3A_17, %dma_wait3A_48] : memref<320000x128xf32, #tpu.memory_space<hbm>> -> memref<128x128xf32, #tpu.memory_space<hbm>>
        %dma_wait3A_50 = arith.constant 0 : i32
        %dma_wait3A_51 = tpu.memref_slice %arg5[%mul3A_17, %dma_wait3A_50] : memref<320000x128xf32, #tpu.memory_space<hbm>> -> memref<128x128xf32, #tpu.memory_space<hbm>>
        tpu.wait_dma2 semaphore(%run_scoped3A : memref<!tpu.dma_semaphore, #tpu.memory_space<semaphore_mem>>) src(%arg9 : memref<128x128xf32, #tpu.memory_space<vmem>>) dst(%dma_wait3A_51 : memref<128x128xf32, #tpu.memory_space<hbm>>)
        tpu.yield
      }) : () -> ()
      %dma_wait3A_37 = arith.constant 0 : i32
      %dma_wait3A_38 = arith.constant 0 : i32
      %dma_wait3A_39 = tpu.memref_slice %arg8[%scan3A_14, %dma_wait3A_37, %dma_wait3A_38] : memref<79x1x128xi32, #tpu.memory_space<vmem>> -> memref<1x1x128xi32, #tpu.memory_space<vmem>>
      %dma_wait3A_40 = tpu.memref_squeeze %dma_wait3A_39 : memref<1x1x128xi32, #tpu.memory_space<vmem>> -> memref<128xi32, #tpu.memory_space<vmem>>
      %dma_wait3A_41 = arith.constant 0 : i32
      %dma_wait3A_42 = arith.constant 0 : i32
      %dma_wait3A_43 = tpu.memref_slice %arg2[%dma_wait3A_41, %dma_wait3A_42] : memref<10000x128xf32, #tpu.memory_space<hbm>> -> memref<10000x128xf32, #tpu.memory_space<hbm>>
      tpu.wait_indirect_dma semaphore(%arg12 : memref<!tpu.dma_semaphore, #tpu.memory_space<semaphore_mem>>) src(%dma_wait3A_43 : memref<10000x128xf32, #tpu.memory_space<hbm>>) dst(%arg10 : memref<128x128xf32, #tpu.memory_space<vmem>>)
      "tpu.region"() ({
        %run_scoped3A = tpu.sem_alloc : memref<!tpu.dma_semaphore, #tpu.memory_space<semaphore_mem>>
        %dma_start3A_44 = arith.constant 0 : i32
        %dma_start3A_45 = tpu.memref_slice %arg6[%mul3A_17, %dma_start3A_44] : memref<320000x128xf32, #tpu.memory_space<hbm>> -> memref<128x128xf32, #tpu.memory_space<hbm>>
        %dma_start3A_46 = arith.constant 0 : i32
        %dma_start3A_47 = tpu.memref_slice %arg6[%mul3A_17, %dma_start3A_46] : memref<320000x128xf32, #tpu.memory_space<hbm>> -> memref<128x128xf32, #tpu.memory_space<hbm>>
        tpu.enqueue_dma source(%arg10 : memref<128x128xf32, #tpu.memory_space<vmem>>) target(%dma_start3A_47 : memref<128x128xf32, #tpu.memory_space<hbm>>) target_semaphore(%run_scoped3A : memref<!tpu.dma_semaphore, #tpu.memory_space<semaphore_mem>>)
        %dma_wait3A_48 = arith.constant 0 : i32
        %dma_wait3A_49 = tpu.memref_slice %arg6[%mul3A_17, %dma_wait3A_48] : memref<320000x128xf32, #tpu.memory_space<hbm>> -> memref<128x128xf32, #tpu.memory_space<hbm>>
        %dma_wait3A_50 = arith.constant 0 : i32
        %dma_wait3A_51 = tpu.memref_slice %arg6[%mul3A_17, %dma_wait3A_50] : memref<320000x128xf32, #tpu.memory_space<hbm>> -> memref<128x128xf32, #tpu.memory_space<hbm>>
        tpu.wait_dma2 semaphore(%run_scoped3A : memref<!tpu.dma_semaphore, #tpu.memory_space<semaphore_mem>>) src(%arg10 : memref<128x128xf32, #tpu.memory_space<vmem>>) dst(%dma_wait3A_51 : memref<128x128xf32, #tpu.memory_space<hbm>>)
        tpu.yield
      }) : () -> ()
    }
    %scan3A_10 = arith.constant 78 : i32
    %convert_element_type3A_11 = arith.extui %lt3A_5 : i1 to i32
    %cond3A_12 = arith.constant 0 : i32
    %cond3A_13 = arith.cmpi ne, %convert_element_type3A_11, %cond3A_12 : i32
    scf.if %cond3A_13 {
      %add3A_14 = arith.constant 78 : i32
      %add3A_15 = arith.addi %add3A_4, %add3A_14 : i32
      %mul3A_16 = arith.constant 128 : i32
      %mul3A_17 = arith.muli %add3A_15, %mul3A_16 : i32
      %dma_start3A = arith.constant 78 : i32
      %dma_start3A_18 = arith.constant 0 : i32
      %dma_start3A_19 = arith.constant 0 : i32
      %dma_start3A_20 = tpu.memref_slice %arg7[%dma_start3A, %dma_start3A_18, %dma_start3A_19] : memref<79x1x128xi32, #tpu.memory_space<vmem>> -> memref<1x1x128xi32, #tpu.memory_space<vmem>>
      %dma_start3A_21 = tpu.memref_squeeze %dma_start3A_20 : memref<1x1x128xi32, #tpu.memory_space<vmem>> -> memref<128xi32, #tpu.memory_space<vmem>>
      %dma_start3A_22 = arith.constant 0 : i32
      %dma_start3A_23 = arith.constant 0 : i32
      %dma_start3A_24 = tpu.memref_slice %arg2[%dma_start3A_22, %dma_start3A_23] : memref<10000x128xf32, #tpu.memory_space<hbm>> -> memref<10000x128xf32, #tpu.memory_space<hbm>>
      tpu.enqueue_indirect_dma source(%dma_start3A_24 : memref<10000x128xf32, #tpu.memory_space<hbm>>) target(%arg9 : memref<128x128xf32, #tpu.memory_space<vmem>>) offsets(%dma_start3A_21 : memref<128xi32, #tpu.memory_space<vmem>>) semaphore(%arg11 : memref<!tpu.dma_semaphore, #tpu.memory_space<semaphore_mem>>)
      %dma_start3A_25 = arith.constant 78 : i32
      %dma_start3A_26 = arith.constant 0 : i32
      %dma_start3A_27 = arith.constant 0 : i32
      %dma_start3A_28 = tpu.memref_slice %arg8[%dma_start3A_25, %dma_start3A_26, %dma_start3A_27] : memref<79x1x128xi32, #tpu.memory_space<vmem>> -> memref<1x1x128xi32, #tpu.memory_space<vmem>>
      %dma_start3A_29 = tpu.memref_squeeze %dma_start3A_28 : memref<1x1x128xi32, #tpu.memory_space<vmem>> -> memref<128xi32, #tpu.memory_space<vmem>>
      %dma_start3A_30 = arith.constant 0 : i32
      %dma_start3A_31 = arith.constant 0 : i32
      %dma_start3A_32 = tpu.memref_slice %arg2[%dma_start3A_30, %dma_start3A_31] : memref<10000x128xf32, #tpu.memory_space<hbm>> -> memref<10000x128xf32, #tpu.memory_space<hbm>>
      tpu.enqueue_indirect_dma source(%dma_start3A_32 : memref<10000x128xf32, #tpu.memory_space<hbm>>) target(%arg10 : memref<128x128xf32, #tpu.memory_space<vmem>>) offsets(%dma_start3A_29 : memref<128xi32, #tpu.memory_space<vmem>>) semaphore(%arg12 : memref<!tpu.dma_semaphore, #tpu.memory_space<semaphore_mem>>)
      %dma_wait3A = arith.constant 78 : i32
      %dma_wait3A_33 = arith.constant 0 : i32
      %dma_wait3A_34 = arith.constant 0 : i32
      %dma_wait3A_35 = tpu.memref_slice %arg7[%dma_wait3A, %dma_wait3A_33, %dma_wait3A_34] : memref<79x1x128xi32, #tpu.memory_space<vmem>> -> memref<1x1x128xi32, #tpu.memory_space<vmem>>
      %dma_wait3A_36 = tpu.memref_squeeze %dma_wait3A_35 : memref<1x1x128xi32, #tpu.memory_space<vmem>> -> memref<128xi32, #tpu.memory_space<vmem>>
      %dma_wait3A_37 = arith.constant 0 : i32
      %dma_wait3A_38 = arith.constant 0 : i32
      %dma_wait3A_39 = tpu.memref_slice %arg2[%dma_wait3A_37, %dma_wait3A_38] : memref<10000x128xf32, #tpu.memory_space<hbm>> -> memref<10000x128xf32, #tpu.memory_space<hbm>>
      tpu.wait_indirect_dma semaphore(%arg11 : memref<!tpu.dma_semaphore, #tpu.memory_space<semaphore_mem>>) src(%dma_wait3A_39 : memref<10000x128xf32, #tpu.memory_space<hbm>>) dst(%arg9 : memref<128x128xf32, #tpu.memory_space<vmem>>)
      "tpu.region"() ({
        %run_scoped3A = tpu.sem_alloc : memref<!tpu.dma_semaphore, #tpu.memory_space<semaphore_mem>>
        %dma_start3A_48 = arith.constant 0 : i32
        %dma_start3A_49 = tpu.memref_slice %arg5[%mul3A_17, %dma_start3A_48] : memref<320000x128xf32, #tpu.memory_space<hbm>> -> memref<128x128xf32, #tpu.memory_space<hbm>>
        %dma_start3A_50 = arith.constant 0 : i32
        %dma_start3A_51 = tpu.memref_slice %arg5[%mul3A_17, %dma_start3A_50] : memref<320000x128xf32, #tpu.memory_space<hbm>> -> memref<128x128xf32, #tpu.memory_space<hbm>>
        tpu.enqueue_dma source(%arg9 : memref<128x128xf32, #tpu.memory_space<vmem>>) target(%dma_start3A_51 : memref<128x128xf32, #tpu.memory_space<hbm>>) target_semaphore(%run_scoped3A : memref<!tpu.dma_semaphore, #tpu.memory_space<semaphore_mem>>)
        %dma_wait3A_52 = arith.constant 0 : i32
        %dma_wait3A_53 = tpu.memref_slice %arg5[%mul3A_17, %dma_wait3A_52] : memref<320000x128xf32, #tpu.memory_space<hbm>> -> memref<128x128xf32, #tpu.memory_space<hbm>>
        %dma_wait3A_54 = arith.constant 0 : i32
        %dma_wait3A_55 = tpu.memref_slice %arg5[%mul3A_17, %dma_wait3A_54] : memref<320000x128xf32, #tpu.memory_space<hbm>> -> memref<128x128xf32, #tpu.memory_space<hbm>>
        tpu.wait_dma2 semaphore(%run_scoped3A : memref<!tpu.dma_semaphore, #tpu.memory_space<semaphore_mem>>) src(%arg9 : memref<128x128xf32, #tpu.memory_space<vmem>>) dst(%dma_wait3A_55 : memref<128x128xf32, #tpu.memory_space<hbm>>)
        tpu.yield
      }) : () -> ()
      %dma_wait3A_40 = arith.constant 78 : i32
      %dma_wait3A_41 = arith.constant 0 : i32
      %dma_wait3A_42 = arith.constant 0 : i32
      %dma_wait3A_43 = tpu.memref_slice %arg8[%dma_wait3A_40, %dma_wait3A_41, %dma_wait3A_42] : memref<79x1x128xi32, #tpu.memory_space<vmem>> -> memref<1x1x128xi32, #tpu.memory_space<vmem>>
      %dma_wait3A_44 = tpu.memref_squeeze %dma_wait3A_43 : memref<1x1x128xi32, #tpu.memory_space<vmem>> -> memref<128xi32, #tpu.memory_space<vmem>>
      %dma_wait3A_45 = arith.constant 0 : i32
      %dma_wait3A_46 = arith.constant 0 : i32
      %dma_wait3A_47 = tpu.memref_slice %arg2[%dma_wait3A_45, %dma_wait3A_46] : memref<10000x128xf32, #tpu.memory_space<hbm>> -> memref<10000x128xf32, #tpu.memory_space<hbm>>
      tpu.wait_indirect_dma semaphore(%arg12 : memref<!tpu.dma_semaphore, #tpu.memory_space<semaphore_mem>>) src(%dma_wait3A_47 : memref<10000x128xf32, #tpu.memory_space<hbm>>) dst(%arg10 : memref<128x128xf32, #tpu.memory_space<vmem>>)
      "tpu.region"() ({
        %run_scoped3A = tpu.sem_alloc : memref<!tpu.dma_semaphore, #tpu.memory_space<semaphore_mem>>
        %dma_start3A_48 = arith.constant 0 : i32
        %dma_start3A_49 = tpu.memref_slice %arg6[%mul3A_17, %dma_start3A_48] : memref<320000x128xf32, #tpu.memory_space<hbm>> -> memref<128x128xf32, #tpu.memory_space<hbm>>
        %dma_start3A_50 = arith.constant 0 : i32
        %dma_start3A_51 = tpu.memref_slice %arg6[%mul3A_17, %dma_start3A_50] : memref<320000x128xf32, #tpu.memory_space<hbm>> -> memref<128x128xf32, #tpu.memory_space<hbm>>
        tpu.enqueue_dma source(%arg10 : memref<128x128xf32, #tpu.memory_space<vmem>>) target(%dma_start3A_51 : memref<128x128xf32, #tpu.memory_space<hbm>>) target_semaphore(%run_scoped3A : memref<!tpu.dma_semaphore, #tpu.memory_space<semaphore_mem>>)
        %dma_wait3A_52 = arith.constant 0 : i32
        %dma_wait3A_53 = tpu.memref_slice %arg6[%mul3A_17, %dma_wait3A_52] : memref<320000x128xf32, #tpu.memory_space<hbm>> -> memref<128x128xf32, #tpu.memory_space<hbm>>
        %dma_wait3A_54 = arith.constant 0 : i32
        %dma_wait3A_55 = tpu.memref_slice %arg6[%mul3A_17, %dma_wait3A_54] : memref<320000x128xf32, #tpu.memory_space<hbm>> -> memref<128x128xf32, #tpu.memory_space<hbm>>
        tpu.wait_dma2 semaphore(%run_scoped3A : memref<!tpu.dma_semaphore, #tpu.memory_space<semaphore_mem>>) src(%arg10 : memref<128x128xf32, #tpu.memory_space<vmem>>) dst(%dma_wait3A_55 : memref<128x128xf32, #tpu.memory_space<hbm>>)
        tpu.yield
      }) : () -> ()
    } else {
    }
    return
  }
}

module attributes {stable_mosaic.version = 14 : i64} {
  func.func @_edge_body(%arg0: i32, %arg1: memref<1000x128xf32, #tpu.memory_space<vmem>>, %arg2: memref<1000x128xf32, #tpu.memory_space<vmem>>, %arg3: memref<1000x128xf32, #tpu.memory_space<vmem>>, %arg4: memref<128x128xf32, #tpu.memory_space<vmem>>, %arg5: memref<128x128xf32, #tpu.memory_space<vmem>>, %arg6: memref<128x128xf32, #tpu.memory_space<vmem>>, %arg7: memref<1x128xf32, #tpu.memory_space<vmem>>, %arg8: memref<128x128xf32, #tpu.memory_space<vmem>>, %arg9: memref<1x128xf32, #tpu.memory_space<vmem>>, %arg10: memref<128x128xf32, #tpu.memory_space<vmem>>, %arg11: memref<1x128xf32, #tpu.memory_space<vmem>>, %arg12: memref<128x128xf32, #tpu.memory_space<vmem>>, %arg13: memref<1x128xf32, #tpu.memory_space<vmem>>, %arg14: memref<1x128xf32, #tpu.memory_space<vmem>>, %arg15: memref<1x128xf32, #tpu.memory_space<vmem>>, %arg16: memref<1000x128xf32, #tpu.memory_space<vmem>>, %arg17: memref<1000x128xf32, #tpu.memory_space<vmem>>) attributes {dimension_semantics = [#tpu.dimension_semantics<arbitrary>], iteration_bounds = array<i64: 320>, scalar_prefetch = 0 : i64, scratch_operands = 0 : i64, tpu.core_type = #tpu.core_type<tc>, window_params = [{transform_indices = @transform_0, window_bounds = array<i64: 1000, 128>}, {transform_indices = @transform_1, window_bounds = array<i64: 1000, 128>}, {transform_indices = @transform_2, window_bounds = array<i64: 1000, 128>}, {pipeline_mode = #tpu.pipeline_mode<synchronous>, transform_indices = @transform_3, window_bounds = array<i64: 128, 128>}, {pipeline_mode = #tpu.pipeline_mode<synchronous>, transform_indices = @transform_4, window_bounds = array<i64: 128, 128>}, {pipeline_mode = #tpu.pipeline_mode<synchronous>, transform_indices = @transform_5, window_bounds = array<i64: 128, 128>}, {pipeline_mode = #tpu.pipeline_mode<synchronous>, transform_indices = @transform_6, window_bounds = array<i64: 1, 128>}, {pipeline_mode = #tpu.pipeline_mode<synchronous>, transform_indices = @transform_7, window_bounds = array<i64: 128, 128>}, {pipeline_mode = #tpu.pipeline_mode<synchronous>, transform_indices = @transform_8, window_bounds = array<i64: 1, 128>}, {pipeline_mode = #tpu.pipeline_mode<synchronous>, transform_indices = @transform_9, window_bounds = array<i64: 128, 128>}, {pipeline_mode = #tpu.pipeline_mode<synchronous>, transform_indices = @transform_10, window_bounds = array<i64: 1, 128>}, {pipeline_mode = #tpu.pipeline_mode<synchronous>, transform_indices = @transform_11, window_bounds = array<i64: 128, 128>}, {pipeline_mode = #tpu.pipeline_mode<synchronous>, transform_indices = @transform_12, window_bounds = array<i64: 1, 128>}, {pipeline_mode = #tpu.pipeline_mode<synchronous>, transform_indices = @transform_13, window_bounds = array<i64: 1, 128>}, {pipeline_mode = #tpu.pipeline_mode<synchronous>, transform_indices = @transform_14, window_bounds = array<i64: 1, 128>}, {transform_indices = @transform_15, window_bounds = array<i64: 1000, 128>}, {transform_indices = @transform_16, window_bounds = array<i64: 1000, 128>}]} {
    %get3A = arith.constant 0 : index
    %get3A_0 = arith.constant 0 : index
    %get3A_1 = vector.load %arg1[%get3A, %get3A_0] : memref<1000x128xf32, #tpu.memory_space<vmem>>, vector<1000x128xf32>
    %get3A_2 = arith.constant 0 : index
    %get3A_3 = arith.constant 0 : index
    %get3A_4 = vector.load %arg2[%get3A_2, %get3A_3] : memref<1000x128xf32, #tpu.memory_space<vmem>>, vector<1000x128xf32>
    %get3A_5 = arith.constant 0 : index
    %get3A_6 = arith.constant 0 : index
    %get3A_7 = vector.load %arg3[%get3A_5, %get3A_6] : memref<1000x128xf32, #tpu.memory_space<vmem>>, vector<1000x128xf32>
    %get3A_8 = arith.constant 0 : index
    %get3A_9 = arith.constant 0 : index
    %get3A_10 = vector.load %arg4[%get3A_8, %get3A_9] : memref<128x128xf32, #tpu.memory_space<vmem>>, vector<128x128xf32>
    %dot_general3A = arith.constant dense<0.000000e+00> : vector<1000x128xf32>
    %dot_general3A_11 = tpu.matmul %get3A_1, %get3A_10, %dot_general3A {dimension_numbers = #tpu.dot_dimension_numbers<[1], [0], [0], [1], [0, 0, 1, 1], [], []>, transpose_lhs_hint = false} : vector<1000x128xf32>, vector<128x128xf32>, vector<1000x128xf32> -> vector<1000x128xf32>
    %get3A_12 = arith.constant 0 : index
    %get3A_13 = arith.constant 0 : index
    %get3A_14 = vector.load %arg5[%get3A_12, %get3A_13] : memref<128x128xf32, #tpu.memory_space<vmem>>, vector<128x128xf32>
    %dot_general3A_15 = arith.constant dense<0.000000e+00> : vector<1000x128xf32>
    %dot_general3A_16 = tpu.matmul %get3A_4, %get3A_14, %dot_general3A_15 {dimension_numbers = #tpu.dot_dimension_numbers<[1], [0], [0], [1], [0, 0, 1, 1], [], []>, transpose_lhs_hint = false} : vector<1000x128xf32>, vector<128x128xf32>, vector<1000x128xf32> -> vector<1000x128xf32>
    %add3A = arith.addf %dot_general3A_11, %dot_general3A_16 : vector<1000x128xf32>
    %get3A_17 = arith.constant 0 : index
    %get3A_18 = arith.constant 0 : index
    %get3A_19 = vector.load %arg6[%get3A_17, %get3A_18] : memref<128x128xf32, #tpu.memory_space<vmem>>, vector<128x128xf32>
    %dot_general3A_20 = arith.constant dense<0.000000e+00> : vector<1000x128xf32>
    %dot_general3A_21 = tpu.matmul %get3A_7, %get3A_19, %dot_general3A_20 {dimension_numbers = #tpu.dot_dimension_numbers<[1], [0], [0], [1], [0, 0, 1, 1], [], []>, transpose_lhs_hint = false} : vector<1000x128xf32>, vector<128x128xf32>, vector<1000x128xf32> -> vector<1000x128xf32>
    %add3A_22 = arith.addf %add3A, %dot_general3A_21 : vector<1000x128xf32>
    %get3A_23 = arith.constant 0 : index
    %get3A_24 = arith.constant 0 : index
    %get3A_25 = vector.load %arg7[%get3A_23, %get3A_24] : memref<1x128xf32, #tpu.memory_space<vmem>>, vector<1x128xf32>
    %add3A_26 = vector.broadcast %get3A_25 : vector<1x128xf32> to vector<1000x128xf32>
    %add3A_27 = arith.addf %add3A_22, %add3A_26 : vector<1000x128xf32>
    %max3A = arith.constant 0.000000e+00 : f32
    %max3A_28 = vector.broadcast %max3A : f32 to vector<1000x128xf32>
    %max3A_29 = arith.maximumf %add3A_27, %max3A_28 : vector<1000x128xf32>
    %get3A_30 = arith.constant 0 : index
    %get3A_31 = arith.constant 0 : index
    %get3A_32 = vector.load %arg8[%get3A_30, %get3A_31] : memref<128x128xf32, #tpu.memory_space<vmem>>, vector<128x128xf32>
    %dot_general3A_33 = arith.constant dense<0.000000e+00> : vector<1000x128xf32>
    %dot_general3A_34 = tpu.matmul %max3A_29, %get3A_32, %dot_general3A_33 {dimension_numbers = #tpu.dot_dimension_numbers<[1], [0], [0], [1], [0, 0, 1, 1], [], []>, transpose_lhs_hint = false} : vector<1000x128xf32>, vector<128x128xf32>, vector<1000x128xf32> -> vector<1000x128xf32>
    %get3A_35 = arith.constant 0 : index
    %get3A_36 = arith.constant 0 : index
    %get3A_37 = vector.load %arg9[%get3A_35, %get3A_36] : memref<1x128xf32, #tpu.memory_space<vmem>>, vector<1x128xf32>
    %add3A_38 = vector.broadcast %get3A_37 : vector<1x128xf32> to vector<1000x128xf32>
    %add3A_39 = arith.addf %dot_general3A_34, %add3A_38 : vector<1000x128xf32>
    %max3A_40 = arith.constant 0.000000e+00 : f32
    %max3A_41 = vector.broadcast %max3A_40 : f32 to vector<1000x128xf32>
    %max3A_42 = arith.maximumf %add3A_39, %max3A_41 : vector<1000x128xf32>
    %get3A_43 = arith.constant 0 : index
    %get3A_44 = arith.constant 0 : index
    %get3A_45 = vector.load %arg10[%get3A_43, %get3A_44] : memref<128x128xf32, #tpu.memory_space<vmem>>, vector<128x128xf32>
    %dot_general3A_46 = arith.constant dense<0.000000e+00> : vector<1000x128xf32>
    %dot_general3A_47 = tpu.matmul %max3A_42, %get3A_45, %dot_general3A_46 {dimension_numbers = #tpu.dot_dimension_numbers<[1], [0], [0], [1], [0, 0, 1, 1], [], []>, transpose_lhs_hint = false} : vector<1000x128xf32>, vector<128x128xf32>, vector<1000x128xf32> -> vector<1000x128xf32>
    %get3A_48 = arith.constant 0 : index
    %get3A_49 = arith.constant 0 : index
    %get3A_50 = vector.load %arg11[%get3A_48, %get3A_49] : memref<1x128xf32, #tpu.memory_space<vmem>>, vector<1x128xf32>
    %add3A_51 = vector.broadcast %get3A_50 : vector<1x128xf32> to vector<1000x128xf32>
    %add3A_52 = arith.addf %dot_general3A_47, %add3A_51 : vector<1000x128xf32>
    %max3A_53 = arith.constant 0.000000e+00 : f32
    %max3A_54 = vector.broadcast %max3A_53 : f32 to vector<1000x128xf32>
    %max3A_55 = arith.maximumf %add3A_52, %max3A_54 : vector<1000x128xf32>
    %get3A_56 = arith.constant 0 : index
    %get3A_57 = arith.constant 0 : index
    %get3A_58 = vector.load %arg12[%get3A_56, %get3A_57] : memref<128x128xf32, #tpu.memory_space<vmem>>, vector<128x128xf32>
    %dot_general3A_59 = arith.constant dense<0.000000e+00> : vector<1000x128xf32>
    %dot_general3A_60 = tpu.matmul %max3A_55, %get3A_58, %dot_general3A_59 {dimension_numbers = #tpu.dot_dimension_numbers<[1], [0], [0], [1], [0, 0, 1, 1], [], []>, transpose_lhs_hint = false} : vector<1000x128xf32>, vector<128x128xf32>, vector<1000x128xf32> -> vector<1000x128xf32>
    %get3A_61 = arith.constant 0 : index
    %get3A_62 = arith.constant 0 : index
    %get3A_63 = vector.load %arg13[%get3A_61, %get3A_62] : memref<1x128xf32, #tpu.memory_space<vmem>>, vector<1x128xf32>
    %add3A_64 = vector.broadcast %get3A_63 : vector<1x128xf32> to vector<1000x128xf32>
    %add3A_65 = arith.addf %dot_general3A_60, %add3A_64 : vector<1000x128xf32>
    %get3A_66 = arith.constant 0 : index
    %get3A_67 = arith.constant 0 : index
    %get3A_68 = vector.load %arg14[%get3A_66, %get3A_67] : memref<1x128xf32, #tpu.memory_space<vmem>>, vector<1x128xf32>
    %get3A_69 = arith.constant 0 : index
    %get3A_70 = arith.constant 0 : index
    %get3A_71 = vector.load %arg15[%get3A_69, %get3A_70] : memref<1x128xf32, #tpu.memory_space<vmem>>, vector<1x128xf32>
    %reduce_sum3A = arith.constant dense<0.000000e+00> : vector<1000xf32>
    %reduce_sum3A_72 = vector.multi_reduction <add>, %add3A_65, %reduce_sum3A [1] : vector<1000x128xf32> to vector<1000xf32>
    %broadcast_in_dim3A = vector.shape_cast %reduce_sum3A_72 : vector<1000xf32> to vector<1000x1xf32>
    %div3A = arith.constant 1.280000e+02 : f32
    %div3A_73 = vector.broadcast %div3A : f32 to vector<1000x1xf32>
    %div3A_74 = arith.divf %broadcast_in_dim3A, %div3A_73 : vector<1000x1xf32>
    %sub3A = vector.broadcast %div3A_74 : vector<1000x1xf32> to vector<1000x128xf32>
    %sub3A_75 = arith.subf %add3A_65, %sub3A : vector<1000x128xf32>
    %mul3A = arith.mulf %sub3A_75, %sub3A_75 : vector<1000x128xf32>
    %reduce_sum3A_76 = arith.constant dense<0.000000e+00> : vector<1000xf32>
    %reduce_sum3A_77 = vector.multi_reduction <add>, %mul3A, %reduce_sum3A_76 [1] : vector<1000x128xf32> to vector<1000xf32>
    %broadcast_in_dim3A_78 = vector.shape_cast %reduce_sum3A_77 : vector<1000xf32> to vector<1000x1xf32>
    %div3A_79 = arith.constant 1.280000e+02 : f32
    %div3A_80 = vector.broadcast %div3A_79 : f32 to vector<1000x1xf32>
    %div3A_81 = arith.divf %broadcast_in_dim3A_78, %div3A_80 : vector<1000x1xf32>
    %add3A_82 = arith.constant 9.99999974E-6 : f32
    %add3A_83 = vector.broadcast %add3A_82 : f32 to vector<1000x1xf32>
    %add3A_84 = arith.addf %div3A_81, %add3A_83 : vector<1000x1xf32>
    %sqrt3A = math.sqrt %add3A_84 : vector<1000x1xf32>
    %div3A_85 = vector.broadcast %sqrt3A : vector<1000x1xf32> to vector<1000x128xf32>
    %div3A_86 = arith.divf %sub3A_75, %div3A_85 : vector<1000x128xf32>
    %mul3A_87 = vector.broadcast %get3A_68 : vector<1x128xf32> to vector<1000x128xf32>
    %mul3A_88 = arith.mulf %div3A_86, %mul3A_87 : vector<1000x128xf32>
    %add3A_89 = vector.broadcast %get3A_71 : vector<1x128xf32> to vector<1000x128xf32>
    %add3A_90 = arith.addf %mul3A_88, %add3A_89 : vector<1000x128xf32>
    %swap3A = arith.constant 0 : index
    %swap3A_91 = arith.constant 0 : index
    %swap3A_92 = vector.load %arg16[%swap3A, %swap3A_91] : memref<1000x128xf32, #tpu.memory_space<vmem>>, vector<1000x128xf32>
    tpu.vector_store %arg16[%swap3A, %swap3A_91], %add3A_90 {strides = array<i32>} : memref<1000x128xf32, #tpu.memory_space<vmem>>, vector<1000x128xf32>,
    %add3A_93 = arith.addf %add3A_90, %get3A_7 : vector<1000x128xf32>
    %swap3A_94 = arith.constant 0 : index
    %swap3A_95 = arith.constant 0 : index
    %swap3A_96 = vector.load %arg17[%swap3A_94, %swap3A_95] : memref<1000x128xf32, #tpu.memory_space<vmem>>, vector<1000x128xf32>
    tpu.vector_store %arg17[%swap3A_94, %swap3A_95], %add3A_93 {strides = array<i32>} : memref<1000x128xf32, #tpu.memory_space<vmem>>, vector<1000x128xf32>,
    return
  }
  func.func @transform_0(%arg0: i32) -> (i32, i32) {
    %c0_i32 = arith.constant 0 : i32
    %c0_i32_0 = arith.constant 0 : i32
    return %arg0, %c0_i32 : i32, i32
  }
  func.func @transform_1(%arg0: i32) -> (i32, i32) {
    %c0_i32 = arith.constant 0 : i32
    %c0_i32_0 = arith.constant 0 : i32
    return %arg0, %c0_i32 : i32, i32
  }
  func.func @transform_2(%arg0: i32) -> (i32, i32) {
    %c0_i32 = arith.constant 0 : i32
    %c0_i32_0 = arith.constant 0 : i32
    return %arg0, %c0_i32 : i32, i32
  }
  func.func @transform_3(%arg0: i32) -> (i32, i32) {
    %c0_i32 = arith.constant 0 : i32
    %c0_i32_0 = arith.constant 0 : i32
    %c0_i32_1 = arith.constant 0 : i32
    return %c0_i32, %c0_i32_0 : i32, i32
  }
  func.func @transform_4(%arg0: i32) -> (i32, i32) {
    %c0_i32 = arith.constant 0 : i32
    %c0_i32_0 = arith.constant 0 : i32
    %c0_i32_1 = arith.constant 0 : i32
    return %c0_i32, %c0_i32_0 : i32, i32
  }
  func.func @transform_5(%arg0: i32) -> (i32, i32) {
    %c0_i32 = arith.constant 0 : i32
    %c0_i32_0 = arith.constant 0 : i32
    %c0_i32_1 = arith.constant 0 : i32
    return %c0_i32, %c0_i32_0 : i32, i32
  }
  func.func @transform_6(%arg0: i32) -> (i32, i32) {
    %c0_i32 = arith.constant 0 : i32
    %c0_i32_0 = arith.constant 0 : i32
    %c0_i32_1 = arith.constant 0 : i32
    return %c0_i32, %c0_i32_0 : i32, i32
  }
  func.func @transform_7(%arg0: i32) -> (i32, i32) {
    %c0_i32 = arith.constant 0 : i32
    %c0_i32_0 = arith.constant 0 : i32
    %c0_i32_1 = arith.constant 0 : i32
    return %c0_i32, %c0_i32_0 : i32, i32
  }
  func.func @transform_8(%arg0: i32) -> (i32, i32) {
    %c0_i32 = arith.constant 0 : i32
    %c0_i32_0 = arith.constant 0 : i32
    %c0_i32_1 = arith.constant 0 : i32
    return %c0_i32, %c0_i32_0 : i32, i32
  }
  func.func @transform_9(%arg0: i32) -> (i32, i32) {
    %c0_i32 = arith.constant 0 : i32
    %c0_i32_0 = arith.constant 0 : i32
    %c0_i32_1 = arith.constant 0 : i32
    return %c0_i32, %c0_i32_0 : i32, i32
  }
  func.func @transform_10(%arg0: i32) -> (i32, i32) {
    %c0_i32 = arith.constant 0 : i32
    %c0_i32_0 = arith.constant 0 : i32
    %c0_i32_1 = arith.constant 0 : i32
    return %c0_i32, %c0_i32_0 : i32, i32
  }
  func.func @transform_11(%arg0: i32) -> (i32, i32) {
    %c0_i32 = arith.constant 0 : i32
    %c0_i32_0 = arith.constant 0 : i32
    %c0_i32_1 = arith.constant 0 : i32
    return %c0_i32, %c0_i32_0 : i32, i32
  }
  func.func @transform_12(%arg0: i32) -> (i32, i32) {
    %c0_i32 = arith.constant 0 : i32
    %c0_i32_0 = arith.constant 0 : i32
    %c0_i32_1 = arith.constant 0 : i32
    return %c0_i32, %c0_i32_0 : i32, i32
  }
  func.func @transform_13(%arg0: i32) -> (i32, i32) {
    %c0_i32 = arith.constant 0 : i32
    %c0_i32_0 = arith.constant 0 : i32
    %c0_i32_1 = arith.constant 0 : i32
    return %c0_i32, %c0_i32_0 : i32, i32
  }
  func.func @transform_14(%arg0: i32) -> (i32, i32) {
    %c0_i32 = arith.constant 0 : i32
    %c0_i32_0 = arith.constant 0 : i32
    %c0_i32_1 = arith.constant 0 : i32
    return %c0_i32, %c0_i32_0 : i32, i32
  }
  func.func @transform_15(%arg0: i32) -> (i32, i32) {
    %c0_i32 = arith.constant 0 : i32
    %c0_i32_0 = arith.constant 0 : i32
    return %arg0, %c0_i32 : i32, i32
  }
  func.func @transform_16(%arg0: i32) -> (i32, i32) {
    %c0_i32 = arith.constant 0 : i32
    %c0_i32_0 = arith.constant 0 : i32
    return %arg0, %c0_i32 : i32, i32
  }
}

module attributes {stable_mosaic.version = 14 : i64} {
  func.func @_node_body(%arg0: i32, %arg1: memref<1000x128xf32, #tpu.memory_space<vmem>>, %arg2: memref<2x1000x128xf32, #tpu.memory_space<vmem>>, %arg3: memref<128x128xf32, #tpu.memory_space<vmem>>, %arg4: memref<128x128xf32, #tpu.memory_space<vmem>>, %arg5: memref<1x128xf32, #tpu.memory_space<vmem>>, %arg6: memref<128x128xf32, #tpu.memory_space<vmem>>, %arg7: memref<1x128xf32, #tpu.memory_space<vmem>>, %arg8: memref<128x128xf32, #tpu.memory_space<vmem>>, %arg9: memref<1x128xf32, #tpu.memory_space<vmem>>, %arg10: memref<128x128xf32, #tpu.memory_space<vmem>>, %arg11: memref<1x128xf32, #tpu.memory_space<vmem>>, %arg12: memref<1x128xf32, #tpu.memory_space<vmem>>, %arg13: memref<1x128xf32, #tpu.memory_space<vmem>>, %arg14: memref<1000x128xf32, #tpu.memory_space<vmem>>) attributes {dimension_semantics = [#tpu.dimension_semantics<arbitrary>], iteration_bounds = array<i64: 10>, scalar_prefetch = 0 : i64, scratch_operands = 0 : i64, tpu.core_type = #tpu.core_type<tc>, window_params = [{transform_indices = @transform_0, window_bounds = array<i64: 1000, 128>}, {transform_indices = @transform_1, window_bounds = array<i64: 2, 1000, 128>}, {pipeline_mode = #tpu.pipeline_mode<synchronous>, transform_indices = @transform_2, window_bounds = array<i64: 128, 128>}, {pipeline_mode = #tpu.pipeline_mode<synchronous>, transform_indices = @transform_3, window_bounds = array<i64: 128, 128>}, {pipeline_mode = #tpu.pipeline_mode<synchronous>, transform_indices = @transform_4, window_bounds = array<i64: 1, 128>}, {pipeline_mode = #tpu.pipeline_mode<synchronous>, transform_indices = @transform_5, window_bounds = array<i64: 128, 128>}, {pipeline_mode = #tpu.pipeline_mode<synchronous>, transform_indices = @transform_6, window_bounds = array<i64: 1, 128>}, {pipeline_mode = #tpu.pipeline_mode<synchronous>, transform_indices = @transform_7, window_bounds = array<i64: 128, 128>}, {pipeline_mode = #tpu.pipeline_mode<synchronous>, transform_indices = @transform_8, window_bounds = array<i64: 1, 128>}, {pipeline_mode = #tpu.pipeline_mode<synchronous>, transform_indices = @transform_9, window_bounds = array<i64: 128, 128>}, {pipeline_mode = #tpu.pipeline_mode<synchronous>, transform_indices = @transform_10, window_bounds = array<i64: 1, 128>}, {pipeline_mode = #tpu.pipeline_mode<synchronous>, transform_indices = @transform_11, window_bounds = array<i64: 1, 128>}, {pipeline_mode = #tpu.pipeline_mode<synchronous>, transform_indices = @transform_12, window_bounds = array<i64: 1, 128>}, {transform_indices = @transform_13, window_bounds = array<i64: 1000, 128>}]} {
    %get3A = arith.constant 0 : index
    %get3A_0 = arith.constant 0 : index
    %get3A_1 = vector.load %arg1[%get3A, %get3A_0] : memref<1000x128xf32, #tpu.memory_space<vmem>>, vector<1000x128xf32>
    %get3A_2 = arith.constant 0 : index
    %get3A_3 = arith.constant 0 : index
    %get3A_4 = arith.constant 0 : index
    %get3A_5 = vector.load %arg2[%get3A_2, %get3A_3, %get3A_4] : memref<2x1000x128xf32, #tpu.memory_space<vmem>>, vector<1x1000x128xf32>
    %get3A_6 = vector.shape_cast %get3A_5 : vector<1x1000x128xf32> to vector<1000x128xf32>
    %get3A_7 = arith.constant 1 : index
    %get3A_8 = arith.constant 0 : index
    %get3A_9 = arith.constant 0 : index
    %get3A_10 = vector.load %arg2[%get3A_7, %get3A_8, %get3A_9] : memref<2x1000x128xf32, #tpu.memory_space<vmem>>, vector<1x1000x128xf32>
    %get3A_11 = vector.shape_cast %get3A_10 : vector<1x1000x128xf32> to vector<1000x128xf32>
    %add3A = arith.addf %get3A_6, %get3A_11 : vector<1000x128xf32>
    %get3A_12 = arith.constant 0 : index
    %get3A_13 = arith.constant 0 : index
    %get3A_14 = vector.load %arg3[%get3A_12, %get3A_13] : memref<128x128xf32, #tpu.memory_space<vmem>>, vector<128x128xf32>
    %dot_general3A = arith.constant dense<0.000000e+00> : vector<1000x128xf32>
    %dot_general3A_15 = tpu.matmul %get3A_1, %get3A_14, %dot_general3A {dimension_numbers = #tpu.dot_dimension_numbers<[1], [0], [0], [1], [0, 0, 1, 1], [], []>, transpose_lhs_hint = false} : vector<1000x128xf32>, vector<128x128xf32>, vector<1000x128xf32> -> vector<1000x128xf32>
    %get3A_16 = arith.constant 0 : index
    %get3A_17 = arith.constant 0 : index
    %get3A_18 = vector.load %arg4[%get3A_16, %get3A_17] : memref<128x128xf32, #tpu.memory_space<vmem>>, vector<128x128xf32>
    %dot_general3A_19 = arith.constant dense<0.000000e+00> : vector<1000x128xf32>
    %dot_general3A_20 = tpu.matmul %add3A, %get3A_18, %dot_general3A_19 {dimension_numbers = #tpu.dot_dimension_numbers<[1], [0], [0], [1], [0, 0, 1, 1], [], []>, transpose_lhs_hint = false} : vector<1000x128xf32>, vector<128x128xf32>, vector<1000x128xf32> -> vector<1000x128xf32>
    %add3A_21 = arith.addf %dot_general3A_15, %dot_general3A_20 : vector<1000x128xf32>
    %get3A_22 = arith.constant 0 : index
    %get3A_23 = arith.constant 0 : index
    %get3A_24 = vector.load %arg5[%get3A_22, %get3A_23] : memref<1x128xf32, #tpu.memory_space<vmem>>, vector<1x128xf32>
    %add3A_25 = vector.broadcast %get3A_24 : vector<1x128xf32> to vector<1000x128xf32>
    %add3A_26 = arith.addf %add3A_21, %add3A_25 : vector<1000x128xf32>
    %max3A = arith.constant 0.000000e+00 : f32
    %max3A_27 = vector.broadcast %max3A : f32 to vector<1000x128xf32>
    %max3A_28 = arith.maximumf %add3A_26, %max3A_27 : vector<1000x128xf32>
    %get3A_29 = arith.constant 0 : index
    %get3A_30 = arith.constant 0 : index
    %get3A_31 = vector.load %arg6[%get3A_29, %get3A_30] : memref<128x128xf32, #tpu.memory_space<vmem>>, vector<128x128xf32>
    %dot_general3A_32 = arith.constant dense<0.000000e+00> : vector<1000x128xf32>
    %dot_general3A_33 = tpu.matmul %max3A_28, %get3A_31, %dot_general3A_32 {dimension_numbers = #tpu.dot_dimension_numbers<[1], [0], [0], [1], [0, 0, 1, 1], [], []>, transpose_lhs_hint = false} : vector<1000x128xf32>, vector<128x128xf32>, vector<1000x128xf32> -> vector<1000x128xf32>
    %get3A_34 = arith.constant 0 : index
    %get3A_35 = arith.constant 0 : index
    %get3A_36 = vector.load %arg7[%get3A_34, %get3A_35] : memref<1x128xf32, #tpu.memory_space<vmem>>, vector<1x128xf32>
    %add3A_37 = vector.broadcast %get3A_36 : vector<1x128xf32> to vector<1000x128xf32>
    %add3A_38 = arith.addf %dot_general3A_33, %add3A_37 : vector<1000x128xf32>
    %max3A_39 = arith.constant 0.000000e+00 : f32
    %max3A_40 = vector.broadcast %max3A_39 : f32 to vector<1000x128xf32>
    %max3A_41 = arith.maximumf %add3A_38, %max3A_40 : vector<1000x128xf32>
    %get3A_42 = arith.constant 0 : index
    %get3A_43 = arith.constant 0 : index
    %get3A_44 = vector.load %arg8[%get3A_42, %get3A_43] : memref<128x128xf32, #tpu.memory_space<vmem>>, vector<128x128xf32>
    %dot_general3A_45 = arith.constant dense<0.000000e+00> : vector<1000x128xf32>
    %dot_general3A_46 = tpu.matmul %max3A_41, %get3A_44, %dot_general3A_45 {dimension_numbers = #tpu.dot_dimension_numbers<[1], [0], [0], [1], [0, 0, 1, 1], [], []>, transpose_lhs_hint = false} : vector<1000x128xf32>, vector<128x128xf32>, vector<1000x128xf32> -> vector<1000x128xf32>
    %get3A_47 = arith.constant 0 : index
    %get3A_48 = arith.constant 0 : index
    %get3A_49 = vector.load %arg9[%get3A_47, %get3A_48] : memref<1x128xf32, #tpu.memory_space<vmem>>, vector<1x128xf32>
    %add3A_50 = vector.broadcast %get3A_49 : vector<1x128xf32> to vector<1000x128xf32>
    %add3A_51 = arith.addf %dot_general3A_46, %add3A_50 : vector<1000x128xf32>
    %max3A_52 = arith.constant 0.000000e+00 : f32
    %max3A_53 = vector.broadcast %max3A_52 : f32 to vector<1000x128xf32>
    %max3A_54 = arith.maximumf %add3A_51, %max3A_53 : vector<1000x128xf32>
    %get3A_55 = arith.constant 0 : index
    %get3A_56 = arith.constant 0 : index
    %get3A_57 = vector.load %arg10[%get3A_55, %get3A_56] : memref<128x128xf32, #tpu.memory_space<vmem>>, vector<128x128xf32>
    %dot_general3A_58 = arith.constant dense<0.000000e+00> : vector<1000x128xf32>
    %dot_general3A_59 = tpu.matmul %max3A_54, %get3A_57, %dot_general3A_58 {dimension_numbers = #tpu.dot_dimension_numbers<[1], [0], [0], [1], [0, 0, 1, 1], [], []>, transpose_lhs_hint = false} : vector<1000x128xf32>, vector<128x128xf32>, vector<1000x128xf32> -> vector<1000x128xf32>
    %get3A_60 = arith.constant 0 : index
    %get3A_61 = arith.constant 0 : index
    %get3A_62 = vector.load %arg11[%get3A_60, %get3A_61] : memref<1x128xf32, #tpu.memory_space<vmem>>, vector<1x128xf32>
    %add3A_63 = vector.broadcast %get3A_62 : vector<1x128xf32> to vector<1000x128xf32>
    %add3A_64 = arith.addf %dot_general3A_59, %add3A_63 : vector<1000x128xf32>
    %get3A_65 = arith.constant 0 : index
    %get3A_66 = arith.constant 0 : index
    %get3A_67 = vector.load %arg12[%get3A_65, %get3A_66] : memref<1x128xf32, #tpu.memory_space<vmem>>, vector<1x128xf32>
    %get3A_68 = arith.constant 0 : index
    %get3A_69 = arith.constant 0 : index
    %get3A_70 = vector.load %arg13[%get3A_68, %get3A_69] : memref<1x128xf32, #tpu.memory_space<vmem>>, vector<1x128xf32>
    %reduce_sum3A = arith.constant dense<0.000000e+00> : vector<1000xf32>
    %reduce_sum3A_71 = vector.multi_reduction <add>, %add3A_64, %reduce_sum3A [1] : vector<1000x128xf32> to vector<1000xf32>
    %broadcast_in_dim3A = vector.shape_cast %reduce_sum3A_71 : vector<1000xf32> to vector<1000x1xf32>
    %div3A = arith.constant 1.280000e+02 : f32
    %div3A_72 = vector.broadcast %div3A : f32 to vector<1000x1xf32>
    %div3A_73 = arith.divf %broadcast_in_dim3A, %div3A_72 : vector<1000x1xf32>
    %sub3A = vector.broadcast %div3A_73 : vector<1000x1xf32> to vector<1000x128xf32>
    %sub3A_74 = arith.subf %add3A_64, %sub3A : vector<1000x128xf32>
    %mul3A = arith.mulf %sub3A_74, %sub3A_74 : vector<1000x128xf32>
    %reduce_sum3A_75 = arith.constant dense<0.000000e+00> : vector<1000xf32>
    %reduce_sum3A_76 = vector.multi_reduction <add>, %mul3A, %reduce_sum3A_75 [1] : vector<1000x128xf32> to vector<1000xf32>
    %broadcast_in_dim3A_77 = vector.shape_cast %reduce_sum3A_76 : vector<1000xf32> to vector<1000x1xf32>
    %div3A_78 = arith.constant 1.280000e+02 : f32
    %div3A_79 = vector.broadcast %div3A_78 : f32 to vector<1000x1xf32>
    %div3A_80 = arith.divf %broadcast_in_dim3A_77, %div3A_79 : vector<1000x1xf32>
    %add3A_81 = arith.constant 9.99999974E-6 : f32
    %add3A_82 = vector.broadcast %add3A_81 : f32 to vector<1000x1xf32>
    %add3A_83 = arith.addf %div3A_80, %add3A_82 : vector<1000x1xf32>
    %sqrt3A = math.sqrt %add3A_83 : vector<1000x1xf32>
    %div3A_84 = vector.broadcast %sqrt3A : vector<1000x1xf32> to vector<1000x128xf32>
    %div3A_85 = arith.divf %sub3A_74, %div3A_84 : vector<1000x128xf32>
    %mul3A_86 = vector.broadcast %get3A_67 : vector<1x128xf32> to vector<1000x128xf32>
    %mul3A_87 = arith.mulf %div3A_85, %mul3A_86 : vector<1000x128xf32>
    %add3A_88 = vector.broadcast %get3A_70 : vector<1x128xf32> to vector<1000x128xf32>
    %add3A_89 = arith.addf %mul3A_87, %add3A_88 : vector<1000x128xf32>
    %add3A_90 = arith.addf %add3A_89, %get3A_1 : vector<1000x128xf32>
    %swap3A = arith.constant 0 : index
    %swap3A_91 = arith.constant 0 : index
    %swap3A_92 = vector.load %arg14[%swap3A, %swap3A_91] : memref<1000x128xf32, #tpu.memory_space<vmem>>, vector<1000x128xf32>
    tpu.vector_store %arg14[%swap3A, %swap3A_91], %add3A_90 {strides = array<i32>} : memref<1000x128xf32, #tpu.memory_space<vmem>>, vector<1000x128xf32>,
    return
  }
  func.func @transform_0(%arg0: i32) -> (i32, i32) {
    %c0_i32 = arith.constant 0 : i32
    %c0_i32_0 = arith.constant 0 : i32
    return %arg0, %c0_i32 : i32, i32
  }
  func.func @transform_1(%arg0: i32) -> (i32, i32, i32) {
    %c0_i32 = arith.constant 0 : i32
    %c0_i32_0 = arith.constant 0 : i32
    %c0_i32_1 = arith.constant 0 : i32
    return %c0_i32, %arg0, %c0_i32_0 : i32, i32, i32
  }
  func.func @transform_2(%arg0: i32) -> (i32, i32) {
    %c0_i32 = arith.constant 0 : i32
    %c0_i32_0 = arith.constant 0 : i32
    %c0_i32_1 = arith.constant 0 : i32
    return %c0_i32, %c0_i32_0 : i32, i32
  }
  func.func @transform_3(%arg0: i32) -> (i32, i32) {
    %c0_i32 = arith.constant 0 : i32
    %c0_i32_0 = arith.constant 0 : i32
    %c0_i32_1 = arith.constant 0 : i32
    return %c0_i32, %c0_i32_0 : i32, i32
  }
  func.func @transform_4(%arg0: i32) -> (i32, i32) {
    %c0_i32 = arith.constant 0 : i32
    %c0_i32_0 = arith.constant 0 : i32
    %c0_i32_1 = arith.constant 0 : i32
    return %c0_i32, %c0_i32_0 : i32, i32
  }
  func.func @transform_5(%arg0: i32) -> (i32, i32) {
    %c0_i32 = arith.constant 0 : i32
    %c0_i32_0 = arith.constant 0 : i32
    %c0_i32_1 = arith.constant 0 : i32
    return %c0_i32, %c0_i32_0 : i32, i32
  }
  func.func @transform_6(%arg0: i32) -> (i32, i32) {
    %c0_i32 = arith.constant 0 : i32
    %c0_i32_0 = arith.constant 0 : i32
    %c0_i32_1 = arith.constant 0 : i32
    return %c0_i32, %c0_i32_0 : i32, i32
  }
  func.func @transform_7(%arg0: i32) -> (i32, i32) {
    %c0_i32 = arith.constant 0 : i32
    %c0_i32_0 = arith.constant 0 : i32
    %c0_i32_1 = arith.constant 0 : i32
    return %c0_i32, %c0_i32_0 : i32, i32
  }
  func.func @transform_8(%arg0: i32) -> (i32, i32) {
    %c0_i32 = arith.constant 0 : i32
    %c0_i32_0 = arith.constant 0 : i32
    %c0_i32_1 = arith.constant 0 : i32
    return %c0_i32, %c0_i32_0 : i32, i32
  }
  func.func @transform_9(%arg0: i32) -> (i32, i32) {
    %c0_i32 = arith.constant 0 : i32
    %c0_i32_0 = arith.constant 0 : i32
    %c0_i32_1 = arith.constant 0 : i32
    return %c0_i32, %c0_i32_0 : i32, i32
  }
  func.func @transform_10(%arg0: i32) -> (i32, i32) {
    %c0_i32 = arith.constant 0 : i32
    %c0_i32_0 = arith.constant 0 : i32
    %c0_i32_1 = arith.constant 0 : i32
    return %c0_i32, %c0_i32_0 : i32, i32
  }
  func.func @transform_11(%arg0: i32) -> (i32, i32) {
    %c0_i32 = arith.constant 0 : i32
    %c0_i32_0 = arith.constant 0 : i32
    %c0_i32_1 = arith.constant 0 : i32
    return %c0_i32, %c0_i32_0 : i32, i32
  }
  func.func @transform_12(%arg0: i32) -> (i32, i32) {
    %c0_i32 = arith.constant 0 : i32
    %c0_i32_0 = arith.constant 0 : i32
    %c0_i32_1 = arith.constant 0 : i32
    return %c0_i32, %c0_i32_0 : i32, i32
  }
  func.func @transform_13(%arg0: i32) -> (i32, i32) {
    %c0_i32 = arith.constant 0 : i32
    %c0_i32_0 = arith.constant 0 : i32
    return %arg0, %c0_i32 : i32, i32
  }
}

</mosaic_0001>

<sc_bundles>
// kernel: kernel.6.cloned.1.call-start
scs
__scs_entry_jumppad:
0x0: {  	(pc) =	sbr.rel $0x88, $3  }
0x1: {  	(tag) =	ssettag $0x0;
	lr =	simm.s32 $0x1  }
0x2: {  	[smem:$0x3F8A] =	sst lr;
	_ =	strace $0xD0000000  }
0x3: {  	_ = 	snop  }
0x4: {  	_ = 	snop  }
0x5: {  	_ = 	snop  }
0x6: {  	_ = 	snop  }
0x7: {  	_ = 	snop  }
__scs_overlays_trampoline_lowered:
0x8: {  	[smem:$0x3F99] =	sst s0  }
0x9: {  	[smem:$0x3F9A] =	sst s1  }
0xa: {  	[smem:$0x3F9B] =	sst s2  }
0xb: {  	[smem:$0x3F9C] =	sst s3  }
0xc: {  	[smem:$0x3F9D] =	sst s4  }
0xd: {  	[smem:$0x3F9E] =	sst s5  }
0xe: {  	[smem:$0x3F9F] =	sst s6  }
0xf: {  	[smem:$0x3FA0] =	sst s7  }
0x10: {  	[smem:$0x3FA1] =	sst s8  }
0x11: {  	[smem:$0x3FA2] =	sst s9;
	s0 =	simm.s32 @!p0 $0x0  }
0x12: {  	s1 =	sld [smem:$0x3F88];
	s0 =	simm.s32 @p0 $0x1  }
0x13: {  	[smem:$0x3FA3] =	sst s0;
	s0 =	simm.s32 @!p1 $0x0  }
0x14: {  	s2 =	sld [smem:$0x3F87];
	s0 =	simm.s32 @p1 $0x1  }
0x15: {  	[smem:$0x3FA4] =	sst s0;
	s0 =	simm.s32 @!p2 $0x0  }
0x16: {  	s3 =	sld [smem:$0x3FDB];
	s0 =	simm.s32 @p2 $0x1  }
0x17: {  	s4 =	simm.s32 $0x1BF5;
	[smem:$0x3FA6] =	sst s0  }
0x18: {  	s0 =	sld [smem:$0x3F89];
	_ =	swait.ge [sflag:s4], $0x0  }
0x19: {  	s7 =	sld [smem:$0x3F8A]  }
0x1a: {  	s8 =	sadd.s32 $0xFFFFE003, lr  }
0x1b: {  	s9 =	sadd.s32 $0xFFFFFEF7, lr;
	s5 =	simm.s32 $0xFFFFFFFF;
	p2 =	slt.u32 s8, $0xFFFFF086  }
0x1c: {  	p1 =	slt.u32 s9, $0xF7A;
	s5 =	simm.s32 @!p2 $0x0  }
0x1d: {  	s5 =	simm.s32 @p1 $0x1;
	p0 =	seq.s32 s7, s2  }
0x1e: {  	s7 =	smul.u32 @!p0 $0xF7A, s2;
	p2 =	seq.s32 @!p0 s5, $0x0  }
0x1f: {  	s9 =	smul.u32 $0xF7A, s1;
	s8 =	simm.s32 @!p0 $0x1BF5;
	p2 =	por !p2, p0  }
0x20: {  	[sflag:s8] =	ssyncset.s32 @!p0 $0xFFFFF086;
	s6 =	sadd.s32 @!p0 s3, s7;
	s7 =	simm.s32 @!p0 $0x108  }
0x21: {  	s3 =	sadd.s32 s3, s9;
	s6 =	sadd.s32 @!p0 $0x88, s6;
	s7 =	simm.s32 @p2 $0x1082  }
0x22: {  	[simem:s7], [sflag:s8] =	dma.local @!p0 [hbm:s6], $0xF7A  }
0x23: {  	s9 =	sor.u32 $0xD0000000, s2;
	s6 =	simm.s32 $0x108;
	_ =	swait.ge @!p0 [sflag:s8], $0x0  }
0x24: {  	s3 =	sadd.s32 $0x88, s3;
	s6 =	simm.s32 @!p1 $0x1082;
	[sflag:s4] =	ssyncset.s32 $0xFFFFF086  }
0x25: {  	[simem:s6], [sflag:s4] =	dma.local [hbm:s3], $0xF7A  }
0x26: {  	[smem:$0x3F8A] =	sst s1;
	(tag) =	ssettag s2;
	_ =	strace s9  }
0x27: {  	s1 =	sld [smem:$0x3F9A]  }
0x28: {  	s2 =	sld [smem:$0x3F9B]  }
0x29: {  	s4 =	sld [smem:$0x3F9D]  }
0x2a: {  	p0 =	seq.s32 s5, $0x0;
	s5 =	sld [smem:$0x3F9E]  }
0x2b: {  	s6 =	sld [smem:$0x3F9F]  }
0x2c: {  	s7 =	sld [smem:$0x3FA0]  }
0x2d: {  	s3 =	simm.s32 $0x108;
	s8 =	sld [smem:$0x3FA1]  }
0x2e: {  	s3 =	simm.s32 @!p0 $0x1082;
	s9 =	sld [smem:$0x3FA2]  }
0x2f: {  	lr =	sadd.s32 s0, s3;
	s0 =	sld [smem:$0x3F99]  }
0x30: {  	s3 =	sld [smem:$0x3F9C]  }
0x31: {  	[smem:$0x3FA5] =	sst s10  }
0x32: {  	s10 =	sld [smem:$0x3FA3];
	_ =	sdelay $0x3  }
0x33: {  	p0 =	seq.s32 s10, $0x1;
	s10 =	sld [smem:$0x3FA5];
	_ =	sdelay $0x3  }
0x34: {  	[smem:$0x3FA5] =	sst s10  }
0x35: {  	s10 =	sld [smem:$0x3FA4];
	_ =	sdelay $0x3  }
0x36: {  	p1 =	seq.s32 s10, $0x1;
	s10 =	sld [smem:$0x3FA5];
	_ =	sdelay $0x3  }
0x37: {  	[smem:$0x3FA5] =	sst s10  }
0x38: {  	s10 =	sld [smem:$0x3FA6]  }
0x39: {  	_ = 	snop;
	(pc) =	sbr.ind lr, $3  }
0x3a: {  	_ = 	snop  }
0x3b: {  	_ = 	snop  }
0x3c: {  	p2 =	seq.s32 s10, $0x1;
	s10 =	sld [smem:$0x3FA5]  }
0x3d: {  	_ =	shalt  }
0x3e: {  	_ =	shalt  }
0x3f: {  	_ =	shalt  }
0x40: {  	_ =	shalt  }
0x41: {  	_ =	shalt  }
0x42: {  	_ =	shalt  }
0x43: {  	_ =	shalt  }
0x44: {  	_ =	shalt  }
0x45: {  	_ =	shalt  }
0x46: {  	_ =	shalt  }
0x47: {  	_ =	shalt  }
0x48: {  	_ =	shalt  }
0x49: {  	_ =	shalt  }
0x4a: {  	_ =	shalt  }
0x4b: {  	_ =	shalt  }
0x4c: {  	_ =	shalt  }
0x4d: {  	_ =	shalt  }
0x4e: {  	_ =	shalt  }
0x4f: {  	_ =	shalt  }
0x50: {  	_ =	shalt  }
0x51: {  	_ =	shalt  }
0x52: {  	_ =	shalt  }
0x53: {  	_ =	shalt  }
0x54: {  	_ =	shalt  }
0x55: {  	_ =	shalt  }
0x56: {  	_ =	shalt  }
0x57: {  	_ =	shalt  }
0x58: {  	_ =	shalt  }
0x59: {  	_ =	shalt  }
0x5a: {  	_ =	shalt  }
0x5b: {  	_ =	shalt  }
0x5c: {  	_ =	shalt  }
0x5d: {  	_ =	shalt  }
0x5e: {  	_ =	shalt  }
0x5f: {  	_ =	shalt  }
0x60: {  	_ =	shalt  }
0x61: {  	_ =	shalt  }
0x62: {  	_ =	shalt  }
0x63: {  	_ =	shalt  }
0x64: {  	_ =	shalt  }
0x65: {  	_ =	shalt  }
0x66: {  	_ =	shalt  }
0x67: {  	_ =	shalt  }
0x68: {  	_ =	shalt  }
0x69: {  	_ =	shalt  }
0x6a: {  	_ =	shalt  }
0x6b: {  	_ =	shalt  }
0x6c: {  	_ =	shalt  }
0x6d: {  	_ =	shalt  }
0x6e: {  	_ =	shalt  }
0x6f: {  	_ =	shalt  }
0x70: {  	_ =	shalt  }
0x71: {  	_ =	shalt  }
0x72: {  	_ =	shalt  }
0x73: {  	_ =	shalt  }
0x74: {  	_ =	shalt  }
0x75: {  	_ =	shalt  }
0x76: {  	_ =	shalt  }
0x77: {  	_ =	shalt  }
0x78: {  	_ =	shalt  }
0x79: {  	_ =	shalt  }
0x7a: {  	_ =	shalt  }
0x7b: {  	_ =	shalt  }
0x7c: {  	_ =	shalt  }
0x7d: {  	_ =	shalt  }
0x7e: {  	_ =	shalt  }
0x7f: {  	_ =	shalt  }
0x80: {  	_ =	shalt  }
0x81: {  	_ =	shalt  }
0x82: {  	_ =	shalt  }
0x83: {  	_ =	shalt  }
0x84: {  	_ =	shalt  }
0x85: {  	_ =	shalt  }
0x86: {  	_ =	shalt  }
0x87: {  	_ =	shalt  }
.Lfunc_end0:
.L_simem_size_0:
called_computation_lowered:
.L_overlay_start_0:
0x88: {  	s2 =	sld [smem:$0x3FD9]  }
0x89: {  	s3 =	sld [smem:$0x3FFE];
	_ =	sdelay $0x1  }
0x8a: {  	s1 =	srdreg.scid  }
0x8b: {  	s0 =	sand.u32 $0x1, s1  }
0x8c: {  	s14 =	sshll.u32 s0, $0xA;
	s2 =	sadd.s32 s3, s2  }
0x8d: {  	s2 =	sadd.s32 s2, s14  }
0x8e: {  	[smem:$0x3FB1] =	sst s2  }
0x8f: {  	_ = 	snop  }
0x90: {  	s2 =	sld [smem:$0x3FD0];
	_ =	sdelay $0x2  }
0x91: {  	s4 =	simm.s32 $0xA;
	s5 =	simm.s32 $0x10;
	s15 =	sld [smem:$0x3FC9]  }
0x92: {  	[smem:s5], [sflag:s4] =	dma.local [hbm:s2], $0x1  }
0x93: {  	_ =	swait.eq [sflag:s4], $0x1  }
0x94: {  	[sflag:s4] =	ssyncset.done $0x0  }
0x95: {  	[sflag:s4] =	ssyncadd.s32 $0xFFFFFFFF  }
0x96: {  	s16 =	sld [smem:$0x10];
	(tm) =	ssettm $0x1  }
0x97: {  	s17 =	sld [smem:$0x3FFB];
	_ =	sdelay $0x3  }
0x98: {  	_ =	strace s17  }
0x99: {  	s4 =	sld [smem:$0x3FFC];
	_ =	sdelay $0x3  }
0x9a: {  	_ =	strace s4  }
0x9b: {  	s4 =	sld [smem:$0x3FFD];
	_ =	sdelay $0x3  }
0x9c: {  	_ =	strace s4  }
0x9d: {  	_ =	strace $0x8FFFFFFF  }
0x9e: {  	s18 =	sld [smem:$0x3FDB];
	_ =	sdelay $0x1  }
0x9f: {  	s19 =	simm.s32 $_scs_section_size  }
0xa0: {  	s6 =	simm.s32 $_size__tile_overlayer_lowered;
	s7 =	simm.s32 $_tile_overlayer_lowered  }
0xa1: {  	s22 =	simm.s32 $0x1BFF;
	s21 =	sshll.u32 s7, $0x1;
	s4 =	sadd.s32 s19, s18  }
0xa2: {  	s8 =	simm.s32 $0x0;
	s20 =	sshll.u32 s6, $0x1;
	s6 =	sadd.s32 s21, s4  }
0xa3: {  	[timem:s8], [sflag:s22] =	dma.local [hbm:s6], s20  }
0xa4: {  	_ =	swait.ge [sflag:s22], s20  }
0xa5: {  	s5 =	ssub.s32 $0x0, s20;
	[sflag:s22] =	ssyncset.done $0x0  }
0xa6: {  	[sflag:s22] =	ssyncadd.s32 s5;
	_ =	sdelay $0x1  }
0xa7: {  	s23 =	simm.s32 $0x1B8B  }
0xa8: {  	_ =	swait.ge [sflag:s23], $0x1  }
0xa9: {  	[sflag:s23] =	ssyncset.done $0x0  }
0xaa: {  	s25 =	simm.s32 $0x1B8E;
	s24 =	sld [smem:$0x3FFE];
	[sflag:s23] =	ssyncadd.s32 $0xFFFFFFFF  }
0xab: {  	s26 =	simm.s32 $execute0_lowered;
	[smem:$0x3FD2] =	sst s25  }
0xac: {  	s6 =	sshll.u32 s26, $0x1;
	_ =	strace $0x80000046;
	[dreg:$0x1] =	wrdreg $0xFFFFFFFF  }
0xad: {  	s28 =	simm.s32 $_size_execute0_lowered;
	s4 =	sadd.s32 s4, s6;
	[dreg:$0x0] =	wrdreg $0x0  }
0xae: {  	s6 =	sshll.u32 s28, $0x1;
	[dreg:$0x2] =	wrdreg s4  }
0xaf: {  	[dreg:$0x3] =	wrdreg s6  }
0xb0: {  	[dreg:$0x4] =	wrdreg $0xC0  }
0xb1: {  	_ =	task [dreg:s8], $0x5FFFF  }
0xb2: {  	[dreg:$0x1] =	wrdreg $0xFFFFFFFF  }
0xb3: {  	[dreg:$0x0] =	wrdreg $0x60  }
0xb4: {  	[dreg:$0x2] =	wrdreg s15  }
0xb5: {  	[dreg:$0x3] =	wrdreg s16  }
0xb6: {  	[dreg:$0x4] =	wrdreg s24  }
0xb7: {  	[dreg:$0x5] =	wrdreg $0x9  }
0xb8: {  	_ =	task.clear_ibuf [dreg:s8], $0x6FFFF;
	_ =	strace $0x90000046  }
0xb9: {  	s29 =	simm.s32 $0x9;
	_ =	strace $0x80000048  }
0xba: {  	_ =	swait.ge [sflag:s29], $0x1  }
0xbb: {  	[sflag:s29] =	ssyncadd.s32 $0xFFFFFFFF  }
0xbc: {  	_ =	strace $0x90000048  }
0xbd: {  	_ =	sfence  }
0xbe: {  	s30 =	sld [smem:$0x0];
	_ =	sdelay $0x2  }
0xbf: {  	s31 =	sshll.u32 s1, $0xD;
	s1 =	sshrl.u32 s1, $0x2  }
0xc0: {  	s3 =	sand.u32 $0x4000, s31;
	s1 =	sadd.s32 s1, s30  }
0xc1: {  	s0 =	sor.u32 s3, s0;
	s1 =	sshll.u32 s1, $0x11  }
0xc2: {  	s0 =	sor.u32 s1, s0  }
0xc3: {  	s0 =	sadd.s32 $0x8F2B, s0  }
0xc4: {  	[sflag:s0] =	ssyncadd.remote.s32 $0x1  }
0xc5: {  	_ =	sfence.sel $0xFFFF  }
0xc6: {  	[dreg:$0x0] =	wrdreg $0xFFFFFFFF;
	(pc) =	sbr.abs _section_cstart, $3  }
0xc7: {  	[dreg:$0x1] =	wrdreg $0xFFFFFFFF  }
0xc8: {  	_ =	task.clear_ibuf [dreg:s8], $0x2FFFF;
	_ =	strace $0x9FFFFFFF  }
0xc9: {  	(tm) =	ssettm $0x7FFFFFFF  }
tec
execute0_lowered:
.L_overlay_start_1:
0x0: {  	(tag) =	ssettag $0x1  }
0x1: {  	s1 =	rddreg [dreg:$0x0]  }
0x2: {  	s6 =	rddreg [dreg:$0x1]  }
0x3: {  	s4 =	rddreg [dreg:$0x2]  }
0x4: {  	s0 =	rddreg [dreg:$0x3];
	s3 =	simm.s32 $0x0;
	s5 =	srdreg.scid  }
0x5: {  	s2 =	stileid.u32;
	s16 =	simm.s32 $0x4F00;
	s17 =	simm.s32 $0x8F00  }
0x6: {  	s18 =	simm.s32 $0x1;
	s19 =	simm.s32 $0x2;
	s20 =	simm.s32 $0x0  }
0x7: {  	[smem:$0x7FF] =	sst s3;
	s5 =	sand.u32 $0x1, s5;
	s7 =	sshll.u32 s2, $0x1  }
0x8: {  	s8 =	sadd.s32 $0x4000, s4;
	s11 =	sadd.s32 $0xDE00, s4;
	s13 =	smul.u32 $0x9C, s2  }
0x9: {  	s12 =	sadd.s32 $0x4EFE00, s4;
	s7 =	sor.u32 s5, s7;
	s15 =	smul.u32 $0x4E, s5  }
0xa: {  	p0 =	sgt.u32 s2, $0x1;
	s29 =	ssub.s32 $0x2, s5;
	s9 =	smul.u32 $0x4E, s7  }
0xb: {  	_ =	strace $0x80000047;
	s10 =	smin.u32 s7, $0x4;
	s30 =	sshrl.u32 s29, $0x1  }
0xc: {  	s14 =	ssub.s32 s29, s30;
	s13 =	sadd.s32 s15, s13;
	s9 =	sadd.s32 s10, s9  }
0xd: {  	s15 =	simm.s32 $0x80;
	s10 =	sadd.s32 s10, s13;
	s31 =	sshll.u32 s9, $0x4  }
0xe: {  	s9 =	sshll.u32 s9, $0xB;
	s13 =	sshll.u32 s10, $0xB;
	s10 =	smax.u32 s14, $0x1  }
0xf: {  	s14 =	simm.s32 $0x2780;
	s4 =	sadd.s32 s6, s31;
	s7 =	sadd.s32 $0x4E0, s31  }
0x10: {  	s5 =	sadd.s32 s8, s31;
	s9 =	sadd.s32 $0x27000, s9;
	s6 =	sadd.s32 s6, s7  }
0x11: {  	s7 =	sadd.s32 s8, s7;
	s8 =	sadd.s32 s11, s9;
	s9 =	sadd.s32 s12, s9  }
0x12: {  	s11 =	sadd.s32 s13, s11;
	s12 =	sadd.s32 s13, s12;
	s13 =	simm.s32 $0x3  }
.LBB2_1:
0x13: {  	[tilespmem:s3], [sflag:$0x3] =	stream.linear.gather [hbm4b:s4+s3], $0x2700, $0x38;
	[tilespmem:$0xCF00] =	vst v63  }
0x14: {  	_ =	swait.ge [sflag:s13], $0x2700  }
0x15: {  	[sflag:s13] =	ssyncset.done $0x0  }
0x16: {  	[sflag:s13] =	ssyncadd.s32 $0xFFFFD900  }
0x17: {  	[tilespmem:s14], [sflag:$0x3] =	stream.linear.gather [hbm4b:s5+s3], $0x2700, $0x38;
	[tilespmem:$0xCF00] =	vst v63  }
0x18: {  	_ =	swait.ge [sflag:s13], $0x2700  }
0x19: {  	[sflag:s13] =	ssyncset.done $0x0  }
0x1a: {  	s21 =	simm.s32 @!p0 $0x0;
	s22 =	simm.s32 @!p0 $0x2700;
	[sflag:s13] =	ssyncadd.s32 $0xFFFFD900  }
0x1b: {  	[tilespmem:s22], [sflag:$0x3] =	stream.linear.gather @!p0 [hbm4b:s6+s21], $0x80, $0x38;
	[tilespmem:$0xCF00] =	vst v63  }
0x1c: {  	s22 =	simm.s32 @!p0 $0x3  }
0x1d: {  	_ =	swait.ge @!p0 [sflag:s22], $0x80  }
0x1e: {  	[sflag:s22] =	ssyncset.done @!p0 $0x0  }
0x1f: {  	s23 =	simm.s32 @!p0 $0x4E80;
	[sflag:s22] =	ssyncadd.s32 @!p0 $0xFFFFFF80  }
0x20: {  	[tilespmem:s23], [sflag:$0x3] =	stream.linear.gather @!p0 [hbm4b:s7+s21], $0x80, $0x38;
	[tilespmem:$0xCF00] =	vst v63  }
0x21: {  	_ =	swait.ge @!p0 [sflag:s22], $0x80  }
0x22: {  	[sflag:s22] =	ssyncset.done @!p0 $0x0  }
0x23: {  	s30 =	simm.s32 $0x0;
	[sflag:s22] =	ssyncadd.s32 @!p0 $0xFFFFFF80  }
0x24: {  	[tilespmem:s16], [sflag:$0x1] =	stream.indirect.gather [hbm4b:s1+s15], $0x80, s30, s15, $0xb8;
	[tilespmem:$0xCF00] =	vst v63  }
0x25: {  	s31 =	simm.s32 $0x2780  }
0x26: {  	[tilespmem:s17], [sflag:$0x2] =	stream.indirect.gather [hbm4b:s1+s15], $0x80, s31, s15, $0xb8;
	[tilespmem:$0xCF00] =	vst v63  }
0x27: {  	_ =	swait.ge [sflag:s18], $0x4000  }
0x28: {  	[sflag:s18] =	ssyncset.done $0x0  }
0x29: {  	[sflag:s18] =	ssyncadd.s32 $0xFFFFC000  }
0x2a: {  	[hbm4b:s11+s3] =	stream.linear.scatter [tilespmem:s16], [sflag:$0x3], $0x4000, $0x38;
	[tilespmem:$0xCF00] =	vst v63  }
0x2b: {  	_ =	swait.ge [sflag:s13], $0x4000  }
0x2c: {  	[sflag:s13] =	ssyncset.done $0x0  }
0x2d: {  	[sflag:s13] =	ssyncadd.s32 $0xFFFFC000  }
0x2e: {  	_ =	swait.ge [sflag:s19], $0x4000  }
0x2f: {  	[sflag:s19] =	ssyncset.done $0x0  }
0x30: {  	[sflag:s19] =	ssyncadd.s32 $0xFFFFC000  }
0x31: {  	[hbm4b:s12+s3] =	stream.linear.scatter [tilespmem:s17], [sflag:$0x3], $0x4000, $0x38;
	[tilespmem:$0xCF00] =	vst v63  }
0x32: {  	s24 =	simm.s32 $0x400;
	s23 =	simm.s32 $0x200;
	_ =	swait.ge [sflag:s13], $0x4000  }
0x33: {  	s21 =	sadd.s32 $0x800, s12;
	s22 =	sadd.s32 $0x800, s11;
	[sflag:s13] =	ssyncset.done $0x0  }
.LBB2_2:
0x34: {  	s25 =	sshra.s32 s23, $0x2  }
0x35: {  	[sflag:s13] =	ssyncadd.s32 $0xFFFFC000;
	s23 =	smov.u32 s24;
	s26 =	sadd.s32 $0x200, s24  }
0x36: {  	[tilespmem:s16], [sflag:$0x1] =	stream.indirect.gather [hbm4b:s1+s15], $0x80, s25, s15, $0xb8;
	[tilespmem:$0xCF00] =	vst v63  }
0x37: {  	p1 =	sne.s32 s24, $0x9A00;
	s24 =	sadd.s32 $0x2780, s25  }
0x38: {  	[tilespmem:s17], [sflag:$0x2] =	stream.indirect.gather [hbm4b:s1+s15], $0x80, s24, s15, $0xb8;
	[tilespmem:$0xCF00] =	vst v63  }
0x39: {  	_ =	swait.ge [sflag:s18], $0x4000  }
0x3a: {  	[sflag:s18] =	ssyncset.done $0x0  }
0x3b: {  	[sflag:s18] =	ssyncadd.s32 $0xFFFFC000  }
0x3c: {  	[hbm4b:s22+s3] =	stream.linear.scatter [tilespmem:s16], [sflag:$0x3], $0x4000, $0x38;
	[tilespmem:$0xCF00] =	vst v63  }
0x3d: {  	_ =	swait.ge [sflag:s13], $0x4000  }
0x3e: {  	[sflag:s13] =	ssyncset.done $0x0  }
0x3f: {  	[sflag:s13] =	ssyncadd.s32 $0xFFFFC000  }
0x40: {  	_ =	swait.ge [sflag:s19], $0x4000  }
.Ltmp0:
0x41: {  	[sflag:s19] =	ssyncset.done $0x0;
	(pc) =	sbr.rel @p1 .LBB2_2-.Ltmp0, $4  }
0x42: {  	[sflag:s19] =	ssyncadd.s32 $0xFFFFC000  }
0x43: {  	[hbm4b:s21+s3] =	stream.linear.scatter [tilespmem:s17], [sflag:$0x3], $0x4000, $0x38;
	[tilespmem:$0xCF00] =	vst v63  }
0x44: {  	s24 =	smov.u32 s26;
	_ =	swait.ge [sflag:s13], $0x4000  }
0x45: {  	s22 =	sadd.s32 $0x800, s22;
	s21 =	sadd.s32 $0x800, s21;
	[sflag:s13] =	ssyncset.done $0x0  }
0x46: {  	s23 =	sshra.s32 s23, $0x2;
	[sflag:s13] =	ssyncadd.s32 $0xFFFFC000  }
0x47: {  	[tilespmem:s16], [sflag:$0x1] =	stream.indirect.gather [hbm4b:s1+s15], $0x80, s23, s15, $0xb8;
	[tilespmem:$0xCF00] =	vst v63  }
0x48: {  	s23 =	sadd.s32 $0x2780, s23  }
0x49: {  	[tilespmem:s17], [sflag:$0x2] =	stream.indirect.gather [hbm4b:s1+s15], $0x80, s23, s15, $0xb8;
	[tilespmem:$0xCF00] =	vst v63  }
0x4a: {  	_ =	swait.ge [sflag:s18], $0x4000  }
0x4b: {  	[sflag:s18] =	ssyncset.done $0x0  }
0x4c: {  	[sflag:s18] =	ssyncadd.s32 $0xFFFFC000  }
0x4d: {  	[hbm4b:s22+s3] =	stream.linear.scatter [tilespmem:s16], [sflag:$0x3], $0x4000, $0x38;
	[tilespmem:$0xCF00] =	vst v63  }
0x4e: {  	_ =	swait.ge [sflag:s13], $0x4000  }
0x4f: {  	[sflag:s13] =	ssyncset.done $0x0  }
0x50: {  	[sflag:s13] =	ssyncadd.s32 $0xFFFFC000  }
0x51: {  	_ =	swait.ge [sflag:s19], $0x4000  }
0x52: {  	[sflag:s19] =	ssyncset.done $0x0  }
0x53: {  	[sflag:s19] =	ssyncadd.s32 $0xFFFFC000  }
0x54: {  	[hbm4b:s21+s3] =	stream.linear.scatter [tilespmem:s17], [sflag:$0x3], $0x4000, $0x38;
	[tilespmem:$0xCF00] =	vst v63  }
0x55: {  	_ =	swait.ge [sflag:s13], $0x4000  }
0x56: {  	s23 =	simm.s32 @!p0 $0x4F00;
	[sflag:s13] =	ssyncset.done $0x0  }
0x57: {  	s22 =	simm.s32 @!p0 $0x2700;
	s21 =	simm.s32 @!p0 $0x80;
	[sflag:s13] =	ssyncadd.s32 $0xFFFFC000  }
0x58: {  	[tilespmem:s23], [sflag:$0x1] =	stream.indirect.gather @!p0 [hbm4b:s1+s21], $0x80, s22, s21, $0xb8;
	[tilespmem:$0xCF00] =	vst v63  }
0x59: {  	s24 =	simm.s32 @!p0 $0x8F00;
	s22 =	simm.s32 @!p0 $0x4E80  }
0x5a: {  	[tilespmem:s24], [sflag:$0x2] =	stream.indirect.gather @!p0 [hbm4b:s1+s21], $0x80, s22, s21, $0xb8;
	[tilespmem:$0xCF00] =	vst v63  }
0x5b: {  	s21 =	simm.s32 @!p0 $0x1  }
0x5c: {  	_ =	swait.ge @!p0 [sflag:s21], $0x4000  }
0x5d: {  	[sflag:s21] =	ssyncset.done @!p0 $0x0  }
0x5e: {  	s22 =	simm.s32 @!p0 $0x3;
	[sflag:s21] =	ssyncadd.s32 @!p0 $0xFFFFC000;
	s21 =	simm.s32 @!p0 $0x0  }
0x5f: {  	[hbm4b:s8+s21] =	stream.linear.scatter @!p0 [tilespmem:s23], [sflag:$0x3], $0x4000, $0x38;
	[tilespmem:$0xCF00] =	vst v63  }
0x60: {  	_ =	swait.ge @!p0 [sflag:s22], $0x4000  }
0x61: {  	[sflag:s22] =	ssyncset.done @!p0 $0x0  }
0x62: {  	s23 =	simm.s32 @!p0 $0x2;
	[sflag:s22] =	ssyncadd.s32 @!p0 $0xFFFFC000  }
0x63: {  	s20 =	sadd.s32 $0x1, s20;
	_ =	swait.ge @!p0 [sflag:s23], $0x4000  }
0x64: {  	p1 =	sne.s32 s20, s10;
	[sflag:s23] =	ssyncset.done @!p0 $0x0  }
.Ltmp1:
0x65: {  	[sflag:s23] =	ssyncadd.s32 @!p0 $0xFFFFC000;
	(pc) =	sbr.rel @p1 .LBB2_1-.Ltmp1, $4  }
0x66: {  	[hbm4b:s9+s21] =	stream.linear.scatter @!p0 [tilespmem:s24], [sflag:$0x3], $0x4000, $0x38;
	[tilespmem:$0xCF00] =	vst v63  }
0x67: {  	_ =	swait.ge @!p0 [sflag:s22], $0x4000  }
0x68: {  	[sflag:s22] =	ssyncset.done @!p0 $0x0  }
0x69: {  	[sflag:s22] =	ssyncadd.s32 @!p0 $0xFFFFC000  }
0x6a: {  	_ =	sfence.sel $0x180000  }
0x6b: {  	[bflag:$0x0] =	sbarrier.arrive $0xFFFF  }
0x6c: {  	p0 =	sne.s32 s2, $0x0;
	_ =	strace $0x90000047  }
0x6d: {  	s0 =	sadd.s32 @!p0 $0x100000, s0;
	[bflag:$0x2] =	sbarrier.arrive $0xFFFF  }
0x6e: {  	[sflag:s0] =	ssyncadd.tile.s32 @!p0 $0x1;
	_ =	shalt  }
.Lfunc_end2:
_tile_overlayer_lowered:
.L_overlay_start_2:
0x6f: {  	(tag) =	ssettag $0x2  }
0x70: {  	s0 =	rddreg [dreg:$0x0];
	s2 =	stileid.u32  }
0x71: {  	s1 =	rddreg [dreg:$0x1];
	p0 =	sne.s32 s2, $0x0  }
0x72: {  	s3 =	rddreg [dreg:$0x2];
	[bflag:$0x3] =	sbarrier.arrive $0xFFFF;
	s2 =	simm.s32 @!p0 $0x1C03  }
0x73: {  	[timem:s3], [sflag:s2] =	dma.local @!p0 [hbm:s0], s1  }
0x74: {  	s0 =	simm.s32 @!p0 $0x3  }
0x75: {  	_ =	swait.ge @!p0 [sflag:s0], s1  }
0x76: {  	s1 =	ssub.s32 @!p0 $0x0, s1;
	[sflag:s0] =	ssyncset.done @!p0 $0x0  }
0x77: {  	[sflag:s0] =	ssyncadd.s32 @!p0 s1  }
0x78: {  	[bflag:$0x3] =	sbarrier.arrive $0xFFFF  }
0x79: {  	_ =	shalt  }

// kernel: kernel.9.cloned.1.call-start
scs
__scs_entry_jumppad:
0x0: {  	(pc) =	sbr.rel $0x88, $3  }
0x1: {  	(tag) =	ssettag $0x0;
	lr =	simm.s32 $0x1  }
0x2: {  	[smem:$0x3F8A] =	sst lr;
	_ =	strace $0xD0000000  }
0x3: {  	_ = 	snop  }
0x4: {  	_ = 	snop  }
0x5: {  	_ = 	snop  }
0x6: {  	_ = 	snop  }
0x7: {  	_ = 	snop  }
__scs_overlays_trampoline_lowered:
0x8: {  	[smem:$0x3F99] =	sst s0  }
0x9: {  	[smem:$0x3F9A] =	sst s1  }
0xa: {  	[smem:$0x3F9B] =	sst s2  }
0xb: {  	[smem:$0x3F9C] =	sst s3  }
0xc: {  	[smem:$0x3F9D] =	sst s4  }
0xd: {  	[smem:$0x3F9E] =	sst s5  }
0xe: {  	[smem:$0x3F9F] =	sst s6  }
0xf: {  	[smem:$0x3FA0] =	sst s7  }
0x10: {  	[smem:$0x3FA1] =	sst s8  }
0x11: {  	[smem:$0x3FA2] =	sst s9;
	s0 =	simm.s32 @!p0 $0x0  }
0x12: {  	s1 =	sld [smem:$0x3F88];
	s0 =	simm.s32 @p0 $0x1  }
0x13: {  	[smem:$0x3FA3] =	sst s0;
	s0 =	simm.s32 @!p1 $0x0  }
0x14: {  	s2 =	sld [smem:$0x3F87];
	s0 =	simm.s32 @p1 $0x1  }
0x15: {  	[smem:$0x3FA4] =	sst s0;
	s0 =	simm.s32 @!p2 $0x0  }
0x16: {  	s3 =	sld [smem:$0x3FDB];
	s0 =	simm.s32 @p2 $0x1  }
0x17: {  	s4 =	simm.s32 $0x1BF5;
	[smem:$0x3FA6] =	sst s0  }
0x18: {  	s0 =	sld [smem:$0x3F89];
	_ =	swait.ge [sflag:s4], $0x0  }
0x19: {  	s7 =	sld [smem:$0x3F8A]  }
0x1a: {  	s8 =	sadd.s32 $0xFFFFE003, lr  }
0x1b: {  	s9 =	sadd.s32 $0xFFFFFEF7, lr;
	s5 =	simm.s32 $0xFFFFFFFF;
	p2 =	slt.u32 s8, $0xFFFFF086  }
0x1c: {  	p1 =	slt.u32 s9, $0xF7A;
	s5 =	simm.s32 @!p2 $0x0  }
0x1d: {  	s5 =	simm.s32 @p1 $0x1;
	p0 =	seq.s32 s7, s2  }
0x1e: {  	s7 =	smul.u32 @!p0 $0xF7A, s2;
	p2 =	seq.s32 @!p0 s5, $0x0  }
0x1f: {  	s9 =	smul.u32 $0xF7A, s1;
	s8 =	simm.s32 @!p0 $0x1BF5;
	p2 =	por !p2, p0  }
0x20: {  	[sflag:s8] =	ssyncset.s32 @!p0 $0xFFFFF086;
	s6 =	sadd.s32 @!p0 s3, s7;
	s7 =	simm.s32 @!p0 $0x108  }
0x21: {  	s3 =	sadd.s32 s3, s9;
	s6 =	sadd.s32 @!p0 $0x88, s6;
	s7 =	simm.s32 @p2 $0x1082  }
0x22: {  	[simem:s7], [sflag:s8] =	dma.local @!p0 [hbm:s6], $0xF7A  }
0x23: {  	s9 =	sor.u32 $0xD0000000, s2;
	s6 =	simm.s32 $0x108;
	_ =	swait.ge @!p0 [sflag:s8], $0x0  }
0x24: {  	s3 =	sadd.s32 $0x88, s3;
	s6 =	simm.s32 @!p1 $0x1082;
	[sflag:s4] =	ssyncset.s32 $0xFFFFF086  }
0x25: {  	[simem:s6], [sflag:s4] =	dma.local [hbm:s3], $0xF7A  }
0x26: {  	[smem:$0x3F8A] =	sst s1;
	(tag) =	ssettag s2;
	_ =	strace s9  }
0x27: {  	s1 =	sld [smem:$0x3F9A]  }
0x28: {  	s2 =	sld [smem:$0x3F9B]  }
0x29: {  	s4 =	sld [smem:$0x3F9D]  }
0x2a: {  	p0 =	seq.s32 s5, $0x0;
	s5 =	sld [smem:$0x3F9E]  }
0x2b: {  	s6 =	sld [smem:$0x3F9F]  }
0x2c: {  	s7 =	sld [smem:$0x3FA0]  }
0x2d: {  	s3 =	simm.s32 $0x108;
	s8 =	sld [smem:$0x3FA1]  }
0x2e: {  	s3 =	simm.s32 @!p0 $0x1082;
	s9 =	sld [smem:$0x3FA2]  }
0x2f: {  	lr =	sadd.s32 s0, s3;
	s0 =	sld [smem:$0x3F99]  }
0x30: {  	s3 =	sld [smem:$0x3F9C]  }
0x31: {  	[smem:$0x3FA5] =	sst s10  }
0x32: {  	s10 =	sld [smem:$0x3FA3];
	_ =	sdelay $0x3  }
0x33: {  	p0 =	seq.s32 s10, $0x1;
	s10 =	sld [smem:$0x3FA5];
	_ =	sdelay $0x3  }
0x34: {  	[smem:$0x3FA5] =	sst s10  }
0x35: {  	s10 =	sld [smem:$0x3FA4];
	_ =	sdelay $0x3  }
0x36: {  	p1 =	seq.s32 s10, $0x1;
	s10 =	sld [smem:$0x3FA5];
	_ =	sdelay $0x3  }
0x37: {  	[smem:$0x3FA5] =	sst s10  }
0x38: {  	s10 =	sld [smem:$0x3FA6]  }
0x39: {  	_ = 	snop;
	(pc) =	sbr.ind lr, $3  }
0x3a: {  	_ = 	snop  }
0x3b: {  	_ = 	snop  }
0x3c: {  	p2 =	seq.s32 s10, $0x1;
	s10 =	sld [smem:$0x3FA5]  }
0x3d: {  	_ =	shalt  }
0x3e: {  	_ =	shalt  }
0x3f: {  	_ =	shalt  }
0x40: {  	_ =	shalt  }
0x41: {  	_ =	shalt  }
0x42: {  	_ =	shalt  }
0x43: {  	_ =	shalt  }
0x44: {  	_ =	shalt  }
0x45: {  	_ =	shalt  }
0x46: {  	_ =	shalt  }
0x47: {  	_ =	shalt  }
0x48: {  	_ =	shalt  }
0x49: {  	_ =	shalt  }
0x4a: {  	_ =	shalt  }
0x4b: {  	_ =	shalt  }
0x4c: {  	_ =	shalt  }
0x4d: {  	_ =	shalt  }
0x4e: {  	_ =	shalt  }
0x4f: {  	_ =	shalt  }
0x50: {  	_ =	shalt  }
0x51: {  	_ =	shalt  }
0x52: {  	_ =	shalt  }
0x53: {  	_ =	shalt  }
0x54: {  	_ =	shalt  }
0x55: {  	_ =	shalt  }
0x56: {  	_ =	shalt  }
0x57: {  	_ =	shalt  }
0x58: {  	_ =	shalt  }
0x59: {  	_ =	shalt  }
0x5a: {  	_ =	shalt  }
0x5b: {  	_ =	shalt  }
0x5c: {  	_ =	shalt  }
0x5d: {  	_ =	shalt  }
0x5e: {  	_ =	shalt  }
0x5f: {  	_ =	shalt  }
0x60: {  	_ =	shalt  }
0x61: {  	_ =	shalt  }
0x62: {  	_ =	shalt  }
0x63: {  	_ =	shalt  }
0x64: {  	_ =	shalt  }
0x65: {  	_ =	shalt  }
0x66: {  	_ =	shalt  }
0x67: {  	_ =	shalt  }
0x68: {  	_ =	shalt  }
0x69: {  	_ =	shalt  }
0x6a: {  	_ =	shalt  }
0x6b: {  	_ =	shalt  }
0x6c: {  	_ =	shalt  }
0x6d: {  	_ =	shalt  }
0x6e: {  	_ =	shalt  }
0x6f: {  	_ =	shalt  }
0x70: {  	_ =	shalt  }
0x71: {  	_ =	shalt  }
0x72: {  	_ =	shalt  }
0x73: {  	_ =	shalt  }
0x74: {  	_ =	shalt  }
0x75: {  	_ =	shalt  }
0x76: {  	_ =	shalt  }
0x77: {  	_ =	shalt  }
0x78: {  	_ =	shalt  }
0x79: {  	_ =	shalt  }
0x7a: {  	_ =	shalt  }
0x7b: {  	_ =	shalt  }
0x7c: {  	_ =	shalt  }
0x7d: {  	_ =	shalt  }
0x7e: {  	_ =	shalt  }
0x7f: {  	_ =	shalt  }
0x80: {  	_ =	shalt  }
0x81: {  	_ =	shalt  }
0x82: {  	_ =	shalt  }
0x83: {  	_ =	shalt  }
0x84: {  	_ =	shalt  }
0x85: {  	_ =	shalt  }
0x86: {  	_ =	shalt  }
0x87: {  	_ =	shalt  }
.Lfunc_end0:
.L_simem_size_0:
called_computation.1_lowered:
.L_overlay_start_0:
0x88: {  	s2 =	sld [smem:$0x3FD9]  }
0x89: {  	s3 =	sld [smem:$0x3FFE];
	_ =	sdelay $0x1  }
0x8a: {  	s1 =	srdreg.scid  }
0x8b: {  	s0 =	sand.u32 $0x1, s1  }
0x8c: {  	s14 =	sshll.u32 s0, $0xA;
	s2 =	sadd.s32 s3, s2  }
0x8d: {  	s2 =	sadd.s32 s2, s14  }
0x8e: {  	[smem:$0x3FB1] =	sst s2  }
0x8f: {  	_ = 	snop  }
0x90: {  	s2 =	sld [smem:$0x3FD0];
	_ =	sdelay $0x2  }
0x91: {  	s15 =	simm.s32 $0xA;
	s4 =	simm.s32 $0x10  }
0x92: {  	[smem:s4], [sflag:s15] =	dma.local [hbm:s2], $0x1  }
0x93: {  	_ =	swait.eq [sflag:s15], $0x1  }
0x94: {  	[sflag:s15] =	ssyncset.done $0x0  }
0x95: {  	[sflag:s15] =	ssyncadd.s32 $0xFFFFFFFF  }
0x96: {  	s16 =	sld [smem:$0x10];
	(tm) =	ssettm $0x1  }
0x97: {  	s17 =	sld [smem:$0x3FFB];
	_ =	sdelay $0x3  }
0x98: {  	_ =	strace s17  }
0x99: {  	s3 =	sld [smem:$0x3FFC];
	_ =	sdelay $0x3  }
0x9a: {  	_ =	strace s3  }
0x9b: {  	s3 =	sld [smem:$0x3FFD];
	_ =	sdelay $0x3  }
0x9c: {  	_ =	strace s3  }
0x9d: {  	_ =	strace $0x8FFFFFFF  }
0x9e: {  	s18 =	sld [smem:$0x3FDB];
	_ =	sdelay $0x1  }
0x9f: {  	s19 =	simm.s32 $_scs_section_size  }
0xa0: {  	s5 =	simm.s32 $_size__tile_overlayer_lowered;
	s6 =	simm.s32 $_tile_overlayer_lowered  }
0xa1: {  	s22 =	simm.s32 $0x1BFF;
	s21 =	sshll.u32 s6, $0x1;
	s3 =	sadd.s32 s19, s18  }
0xa2: {  	s7 =	simm.s32 $0x0;
	s20 =	sshll.u32 s5, $0x1;
	s5 =	sadd.s32 s21, s3  }
0xa3: {  	[timem:s7], [sflag:s22] =	dma.local [hbm:s5], s20  }
0xa4: {  	_ =	swait.ge [sflag:s22], s20  }
0xa5: {  	s4 =	ssub.s32 $0x0, s20;
	[sflag:s22] =	ssyncset.done $0x0  }
0xa6: {  	[sflag:s22] =	ssyncadd.s32 s4;
	_ =	sdelay $0x1  }
0xa7: {  	s23 =	simm.s32 $0x1B8B  }
0xa8: {  	_ =	swait.ge [sflag:s23], $0x1  }
0xa9: {  	[sflag:s23] =	ssyncset.done $0x0  }
0xaa: {  	s25 =	simm.s32 $0x1B8E;
	s24 =	sld [smem:$0x3FFE];
	[sflag:s23] =	ssyncadd.s32 $0xFFFFFFFF  }
0xab: {  	s26 =	simm.s32 $execute0_lowered;
	[smem:$0x3FD2] =	sst s25  }
0xac: {  	s5 =	sshll.u32 s26, $0x1;
	_ =	strace $0x80000049;
	[dreg:$0x1] =	wrdreg $0xFFFFFFFF  }
0xad: {  	s28 =	simm.s32 $_size_execute0_lowered;
	s3 =	sadd.s32 s3, s5;
	[dreg:$0x0] =	wrdreg $0x0  }
0xae: {  	s5 =	sshll.u32 s28, $0x1;
	[dreg:$0x2] =	wrdreg s3  }
0xaf: {  	[dreg:$0x3] =	wrdreg s5  }
0xb0: {  	[dreg:$0x4] =	wrdreg $0xC0  }
0xb1: {  	_ =	task [dreg:s7], $0x5FFFF  }
0xb2: {  	[dreg:$0x1] =	wrdreg $0xFFFFFFFF  }
0xb3: {  	[dreg:$0x0] =	wrdreg $0x60  }
0xb4: {  	[dreg:$0x2] =	wrdreg s24  }
0xb5: {  	[dreg:$0x3] =	wrdreg s16  }
0xb6: {  	[dreg:$0x4] =	wrdreg $0x67800  }
0xb7: {  	[dreg:$0x5] =	wrdreg $0x9  }
0xb8: {  	_ =	task.clear_ibuf [dreg:s7], $0x6FFFF;
	_ =	strace $0x90000049  }
0xb9: {  	s29 =	simm.s32 $0x9;
	_ =	strace $0x8000004B  }
0xba: {  	_ =	swait.ge [sflag:s29], $0x1  }
0xbb: {  	[sflag:s29] =	ssyncadd.s32 $0xFFFFFFFF  }
0xbc: {  	_ =	strace $0x9000004B  }
0xbd: {  	_ =	sfence  }
0xbe: {  	s30 =	sld [smem:$0x0];
	_ =	sdelay $0x2  }
0xbf: {  	s31 =	sshll.u32 s1, $0xD;
	s1 =	sshrl.u32 s1, $0x2  }
0xc0: {  	s3 =	sand.u32 $0x4000, s31;
	s1 =	sadd.s32 s1, s30  }
0xc1: {  	s0 =	sor.u32 s3, s0;
	s1 =	sshll.u32 s1, $0x11  }
0xc2: {  	s0 =	sor.u32 s1, s0  }
0xc3: {  	s0 =	sadd.s32 $0x8F2B, s0  }
0xc4: {  	[sflag:s0] =	ssyncadd.remote.s32 $0x1  }
0xc5: {  	_ =	sfence.sel $0xFFFF  }
0xc6: {  	[dreg:$0x0] =	wrdreg $0xFFFFFFFF;
	(pc) =	sbr.abs _section_cstart, $3  }
0xc7: {  	[dreg:$0x1] =	wrdreg $0xFFFFFFFF  }
0xc8: {  	_ =	task.clear_ibuf [dreg:s7], $0x2FFFF;
	_ =	strace $0x9FFFFFFF  }
0xc9: {  	(tm) =	ssettm $0x7FFFFFFF  }
tec
execute0_lowered:
.L_overlay_start_1:
0x0: {  	(tag) =	ssettag $0x1  }
0x1: {  	s4 =	rddreg [dreg:$0x0]  }
0x2: {  	s7 =	rddreg [dreg:$0x1]  }
0x3: {  	s2 =	rddreg [dreg:$0x2]  }
0x4: {  	s0 =	rddreg [dreg:$0x3];
	s1 =	stileid.u32  }
0x5: {  	s5 =	srdreg.scid;
	s3 =	simm.s32 $0x0;
	s11 =	smul.u32 $0x4E, s1  }
0x6: {  	s8 =	sand.u32 $0x1, s5;
	[smem:$0x7FF] =	sst s3;
	s20 =	smul.u32 $0x4E000, s1  }
0x7: {  	s12 =	smin.u32 s1, $0x2;
	s14 =	sadd.s32 $0x9D1E00, s4;
	s15 =	smul.u32 $0x13800, s1  }
0x8: {  	s17 =	sadd.s32 $0xDE00, s4;
	s24 =	sshll.u32 s1, $0x6;
	p0 =	sne.s32 s1, $0xF  }
0x9: {  	p1 =	sgt.u32 s1, $0x1;
	s13 =	smul.u32 $0x4E2, s8;
	_ =	strace $0x8000004A  }
0xa: {  	s10 =	ssub.s32 $0x2, s8;
	s5 =	sor.u32 $0x1C01, s24;
	s19 =	sadd.s32 s12, s11  }
0xb: {  	s21 =	sshrl.u32 s10, $0x1;
	s22 =	sshrl.u32 s20, $0x2;
	s23 =	sshrl.u32 s15, $0x3  }
0xc: {  	s20 =	smul.u32 $0x138800, s8;
	s9 =	sadd.s32 s13, s19;
	s18 =	ssub.s32 s10, s21  }
0xd: {  	s19 =	sadd.s32 s22, s2;
	s11 =	sadd.s32 s11, s13;
	s6 =	sshll.u32 s9, $0x4  }
0xe: {  	s9 =	sshll.u32 s9, $0xB;
	s15 =	sadd.s32 s15, s20;
	s26 =	sshrl.u32 s20, $0x3  }
0xf: {  	s30 =	sadd.s32 s12, s11;
	s13 =	smax.u32 s18, $0x1;
	s18 =	simm.s32 $0x80  }
0x10: {  	s16 =	sadd.s32 s6, s4;
	s4 =	sadd.s32 s7, s23;
	s6 =	sadd.s32 $0x138000, s2  }
0x11: {  	s7 =	sadd.s32 $0x27000, s7;
	s25 =	sadd.s32 s9, s14;
	s28 =	sshrl.u32 s15, $0x3  }
0x12: {  	s29 =	sadd.s32 s17, s26;
	s31 =	sshll.u32 s30, $0xB;
	s15 =	sshrl.u32 s19, $0x3  }
0x13: {  	s19 =	simm.s32 $0x0;
	s8 =	sadd.s32 $0x4000, s16;
	s9 =	sadd.s32 $0x44E0, s16  }
0x14: {  	s10 =	sadd.s32 $0x27000, s25;
	s11 =	sadd.s32 s17, s28;
	s12 =	sadd.s32 $0x27000, s29  }
0x15: {  	s14 =	sadd.s32 s31, s14;
	s16 =	simm.s32 $0x1;
	s17 =	simm.s32 $0x2780  }
.LBB2_1:
0x16: {  	[spmem:s15], [sflag:s5] =	dma.local [hbm:s4], $0x2700  }
0x17: {  	_ =	swait.ge [sflag:s16], $0x2700  }
0x18: {  	[sflag:s16] =	ssyncset.done $0x0  }
0x19: {  	s20 =	sshrl.u32 @!p0 s6, $0x3;
	s21 =	simm.s32 @!p0 $0x1;
	[sflag:s16] =	ssyncadd.s32 $0xFFFFD900  }
0x1a: {  	[spmem:s20], [sflag:s5] =	dma.local @!p0 [hbm:s7], $0x100  }
0x1b: {  	_ =	swait.ge @!p0 [sflag:s21], $0x100  }
0x1c: {  	[sflag:s21] =	ssyncset.done @!p0 $0x0  }
0x1d: {  	[sflag:s21] =	ssyncadd.s32 @!p0 $0xFFFFFF00  }
0x1e: {  	[bflag:$0x0] =	sbarrier.arrive $0xFFFF  }
0x1f: {  	[tilespmem:s3], [sflag:$0x1] =	stream.linear.gather [hbm4b:s8+s3], $0x2700, $0x38;
	[tilespmem:$0x1A000] =	vst v63  }
0x20: {  	_ =	swait.ge [sflag:s16], $0x2700  }
0x21: {  	[sflag:s16] =	ssyncset.done $0x0  }
0x22: {  	s22 =	simm.s32 @!p1 $0x2700;
	s21 =	simm.s32 @!p1 $0x0;
	[sflag:s16] =	ssyncadd.s32 $0xFFFFD900  }
0x23: {  	[tilespmem:s22], [sflag:$0x1] =	stream.linear.gather @!p1 [hbm4b:s9+s21], $0x80, $0x38;
	[tilespmem:$0x1A000] =	vst v63  }
0x24: {  	s21 =	simm.s32 @!p1 $0x1  }
0x25: {  	_ =	swait.ge @!p1 [sflag:s21], $0x80  }
0x26: {  	[sflag:s21] =	ssyncset.done @!p1 $0x0  }
0x27: {  	[sflag:s21] =	ssyncadd.s32 @!p1 $0xFFFFFF80  }
0x28: {  	[tilespmem:s17], [sflag:$0x1] =	stream.linear.gather [hbm4b:s14+s3], $0x4000, $0x38;
	[tilespmem:$0x1A000] =	vst v63  }
0x29: {  	_ =	swait.ge [sflag:s16], $0x4000  }
0x2a: {  	[sflag:s16] =	ssyncset.done $0x0  }
0x2b: {  	s31 =	simm.s32 $0x0;
	[sflag:s16] =	ssyncadd.s32 $0xFFFFC000  }
0x2c: {  	[spmem:s2] =	stream.indirect.scatter.add.f32 [tilespmem:s17], [sflag:$0x1], $0x80, s31, s18, $0xb8;
	[tilespmem:$0x1A000] =	vst v63  }
0x2d: {  	_ =	swait.ge [sflag:s16], $0x4000  }
0x2e: {  	s22 =	smov.u32 s14;
	s21 =	simm.s32 $0x200;
	[sflag:s16] =	ssyncset.done $0x0  }
.LBB2_2:
0x2f: {  	p2 =	sne.s32 s21, $0x9A00;
	[sflag:s16] =	ssyncadd.s32 $0xFFFFC000;
	s22 =	sadd.s32 $0x800, s22  }
0x30: {  	[tilespmem:s17], [sflag:$0x1] =	stream.linear.gather [hbm4b:s22+s3], $0x4000, $0x38;
	[tilespmem:$0x1A000] =	vst v63  }
0x31: {  	s23 =	smov.u32 s21;
	s21 =	sadd.s32 $0x200, s21;
	_ =	swait.ge [sflag:s16], $0x4000  }
.Ltmp0:
0x32: {  	[sflag:s16] =	ssyncset.done $0x0;
	(pc) =	sbr.rel @p2 .LBB2_2-.Ltmp0, $4  }
0x33: {  	s23 =	sshra.s32 s23, $0x2;
	[sflag:s16] =	ssyncadd.s32 $0xFFFFC000  }
0x34: {  	[spmem:s2] =	stream.indirect.scatter.add.f32 [tilespmem:s17], [sflag:$0x1], $0x80, s23, s18, $0xb8;
	[tilespmem:$0x1A000] =	vst v63  }
0x35: {  	_ =	swait.ge [sflag:s16], $0x4000  }
0x36: {  	[sflag:s16] =	ssyncset.done $0x0  }
0x37: {  	[sflag:s16] =	ssyncadd.s32 $0xFFFFC000;
	s21 =	simm.s32 @!p1 $0x0;
	s22 =	simm.s32 @!p1 $0x2780  }
0x38: {  	[tilespmem:s22], [sflag:$0x1] =	stream.linear.gather @!p1 [hbm4b:s10+s21], $0x4000, $0x38;
	[tilespmem:$0x1A000] =	vst v63  }
0x39: {  	s21 =	simm.s32 @!p1 $0x1  }
0x3a: {  	_ =	swait.ge @!p1 [sflag:s21], $0x4000  }
0x3b: {  	[sflag:s21] =	ssyncset.done @!p1 $0x0  }
0x3c: {  	s23 =	simm.s32 @!p1 $0x80;
	s24 =	simm.s32 @!p1 $0x2700;
	[sflag:s21] =	ssyncadd.s32 @!p1 $0xFFFFC000  }
0x3d: {  	[spmem:s2] =	stream.indirect.scatter.add.f32 @!p1 [tilespmem:s22], [sflag:$0x1], $0x80, s24, s23, $0xb8;
	[tilespmem:$0x1A000] =	vst v63  }
0x3e: {  	_ =	swait.ge @!p1 [sflag:s21], $0x4000  }
0x3f: {  	[sflag:s21] =	ssyncset.done @!p1 $0x0  }
0x40: {  	[sflag:s21] =	ssyncadd.s32 @!p1 $0xFFFFC000  }
0x41: {  	[bflag:$0x0] =	sbarrier.arrive $0xFFFF  }
0x42: {  	[hbm:s11], [sflag:s5] =	dma.local [spmem:s15], $0x2700  }
0x43: {  	_ =	swait.ge [sflag:s16], $0x2700  }
0x44: {  	s19 =	sadd.s32 $0x1, s19;
	[sflag:s16] =	ssyncset.done $0x0  }
0x45: {  	p2 =	sne.s32 s19, s13;
	[sflag:s16] =	ssyncadd.s32 $0xFFFFD900  }
0x46: {  	[hbm:s12], [sflag:s5] =	dma.local @!p0 [spmem:s20], $0x100  }
.Ltmp1:
0x47: {  	_ = 	snop;
	(pc) =	sbr.rel @p2 .LBB2_1-.Ltmp1, $4  }
0x48: {  	s20 =	simm.s32 @!p0 $0x1  }
0x49: {  	_ =	swait.ge @!p0 [sflag:s20], $0x100  }
0x4a: {  	[sflag:s20] =	ssyncset.done @!p0 $0x0  }
0x4b: {  	[sflag:s20] =	ssyncadd.s32 @!p0 $0xFFFFFF00  }
0x4c: {  	_ =	sfence.sel $0x180000  }
0x4d: {  	[bflag:$0x0] =	sbarrier.arrive $0xFFFF  }
0x4e: {  	p0 =	sne.s32 s1, $0x0;
	_ =	strace $0x9000004A  }
0x4f: {  	s0 =	sadd.s32 @!p0 $0x100000, s0;
	[bflag:$0x2] =	sbarrier.arrive $0xFFFF  }
0x50: {  	[sflag:s0] =	ssyncadd.tile.s32 @!p0 $0x1;
	_ =	shalt  }
.Lfunc_end2:
_tile_overlayer_lowered:
.L_overlay_start_2:
0x51: {  	(tag) =	ssettag $0x2  }
0x52: {  	s0 =	rddreg [dreg:$0x0];
	s2 =	stileid.u32  }
0x53: {  	s1 =	rddreg [dreg:$0x1];
	p0 =	sne.s32 s2, $0x0  }
0x54: {  	s3 =	rddreg [dreg:$0x2];
	[bflag:$0x3] =	sbarrier.arrive $0xFFFF;
	s2 =	simm.s32 @!p0 $0x1C01  }
0x55: {  	[timem:s3], [sflag:s2] =	dma.local @!p0 [hbm:s0], s1  }
0x56: {  	s0 =	simm.s32 @!p0 $0x1  }
0x57: {  	_ =	swait.ge @!p0 [sflag:s0], s1  }
0x58: {  	s1 =	ssub.s32 @!p0 $0x0, s1;
	[sflag:s0] =	ssyncset.done @!p0 $0x0  }
0x59: {  	[sflag:s0] =	ssyncadd.s32 @!p0 s1  }
0x5a: {  	[bflag:$0x3] =	sbarrier.arrive $0xFFFF  }
0x5b: {  	_ =	shalt  }

</sc_bundles>
